<compile_context>
chip_gen: v7x
topology: tpu7x:2x2x1
jax: 0.10.2.dev20260603
libtpu: 0.0.44.dev20260713+nightly
codegen_flags: <defaults>
</compile_context>

<pallas_src>
import functools

import jax
import jax.numpy as jnp
from jax import lax
from jax.experimental import pallas as pl
from jax.experimental.pallas import tpu as pltpu
from jax.experimental.pallas import tpu_sc as plsc

VOCAB = 1000000
DIM = 64
B = 16384
NEG = 20

NC = 2
NS = 16
NW = NC * NS
BPW = B // NW
NJOBS = 2 + NEG
NBUF = 3
DEPTH = 2

_mesh = plsc.VectorSubcoreMesh(core_axis_name="c", subcore_axis_name="s")


@functools.partial(
    pl.kernel,
    mesh=_mesh,
    out_type=[
        jax.ShapeDtypeStruct((B, DIM), jnp.float32),
        jax.ShapeDtypeStruct((B, DIM), jnp.float32),
        jax.ShapeDtypeStruct((B, NEG, DIM), jnp.float32),
    ],
    scratch_types=[
        pltpu.VMEM((2 + NEG, BPW), jnp.int32),
        pltpu.VMEM((BPW, DIM), jnp.float32),
        pltpu.VMEM((BPW, DIM), jnp.float32),
        pltpu.VMEM((BPW, DIM), jnp.float32),
        pltpu.SemaphoreType.DMA,
        pltpu.SemaphoreType.DMA,
        pltpu.SemaphoreType.DMA,
        pltpu.SemaphoreType.DMA,
        pltpu.SemaphoreType.DMA,
        pltpu.SemaphoreType.DMA,
        pltpu.SemaphoreType.DMA,
    ],
    compiler_params=pltpu.CompilerParams(use_tc_tiling_on_sc=False),
)
def _skipgram(iwt, owt, ngt, in_tab, out_tab, o1, o2, o3,
              idx_v, nb0, nb1, nb2,
              isem, g0, g1, g2, w0, w1, w2):
    wid = lax.axis_index("s") * NC + lax.axis_index("c")
    base = pl.multiple_of(wid * BPW, BPW)

    nbufs = (nb0, nb1, nb2)
    gsems = (g0, g1, g2)
    wsems = (w0, w1, w2)

    stg = [pltpu.async_copy(iwt.at[:, pl.ds(base, BPW)],
                            idx_v.at[pl.ds(0, 1), :], isem),
           pltpu.async_copy(owt.at[:, pl.ds(base, BPW)],
                            idx_v.at[pl.ds(1, 1), :], isem),
           pltpu.async_copy(ngt.at[:, pl.ds(base, BPW)],
                            idx_v.at[pl.ds(2, NEG), :], isem)]
    for h in stg:
        h.wait()

    jobs = [(idx_v.at[0], in_tab, o1.at[pl.ds(base, BPW)]),
            (idx_v.at[1], out_tab, o2.at[pl.ds(base, BPW)])]
    for j in range(NEG):
        jobs.append((idx_v.at[2 + j], out_tab, o3.at[pl.ds(base, BPW), j, :]))

    def fire_gather(j):
        offs, tab, _ = jobs[j]
        return pltpu.async_copy(
            tab.at[offs], nbufs[j % NBUF], gsems[j % NBUF])

    def fire_writeback(j):
        _, _, dst = jobs[j]
        return pltpu.async_copy(nbufs[j % NBUF], dst, wsems[j % NBUF])

    gh = [None] * NJOBS
    wh = [None] * NJOBS
    for j in range(DEPTH):
        gh[j] = fire_gather(j)
    for j in range(NJOBS):
        gh[j].wait()
        wh[j] = fire_writeback(j)
        if j + DEPTH < NJOBS:
            if j + DEPTH >= NBUF:
                wh[j + DEPTH - NBUF].wait()
            gh[j + DEPTH] = fire_gather(j + DEPTH)
    for j in range(NJOBS - DEPTH - 1, NJOBS):
        wh[j].wait()


def kernel(input_word, output_word, neg_samples, in_table, out_table):
    iwt = input_word.astype(jnp.int32).reshape(1, B)
    owt = output_word.astype(jnp.int32).reshape(1, B)
    ngt = neg_samples.astype(jnp.int32).T
    return tuple(_skipgram(iwt, owt, ngt, in_table, out_table))

# --- scband reference (transcript-rebuilt; emitter-appended) ---
"""Pipeline reference for scband-skip-gram-50843822850500 (READ-ONLY COPY).

The authoritative reference and input builder live on the scoring server;
editing this copy changes nothing except your own understanding.
"""

import jax, jax.numpy as jnp
import numpy as np

VOCAB = 1000000
DIM = 64
B = 16384
NEG = 20

def setup_inputs(seed: int = 0) -> dict:
    key = jax.random.key(seed)
    k1, k2, k3, k4, k5 = jax.random.split(key, 5)
    input_word = jax.random.randint(k1, (B, 1), 0, VOCAB, dtype=jnp.int64 if jax.config.jax_enable_x64 else jnp.int32)
    output_word = jax.random.randint(k2, (B, 1), 0, VOCAB, dtype=jnp.int64 if jax.config.jax_enable_x64 else jnp.int32)
    neg_samples = jax.random.randint(k3, (B, NEG), 0, VOCAB, dtype=jnp.int64 if jax.config.jax_enable_x64 else jnp.int32)
    bound = 0.5 / DIM
    in_table = jax.random.uniform(k4, (VOCAB, DIM), dtype=jnp.float32, minval=-bound, maxval=bound)
    out_table = jax.random.uniform(k5, (VOCAB, DIM), dtype=jnp.float32, minval=-bound, maxval=bound)
    return {"input_word": input_word, "output_word": output_word, "neg_samples": neg_samples, "in_table": in_table, "out_table": out_table}

def reference(input_word, output_word, neg_samples, in_table, out_table):
    # in_embed(input_word).squeeze(1)
    input_embeds = jnp.squeeze(jnp.take(in_table, input_word, axis=0), axis=1)  # [B, DIM]
    # out_embed(output_word).squeeze(1)
    pos_embeds = jnp.squeeze(jnp.take(out_table, output_word, axis=0), axis=1)  # [B, DIM]
    # out_embed(neg_samples)
    neg_embeds = jnp.take(out_table, neg_samples, axis=0)  # [B, NEG, DIM]
    return (input_embeds, pos_embeds, neg_embeds)

if __name__ == "__main__":
    import jax
    _d = setup_inputs()
    print(jax.jit(kernel)(*tuple(_d.values())))

</pallas_src>

<mosaic_0001>
#map = affine_map<(d0, d1) -> (0, 0)>
#map1 = affine_map<(d0, d1) -> (0, 0, 0)>
module attributes {stable_mosaic.version = 14 : i64} {
  func.func @_skipgram(%arg0: i32, %arg1: i32, %arg2: memref<1x16384xi32, #tpu.memory_space<hbm>>, %arg3: memref<1x16384xi32, #tpu.memory_space<hbm>>, %arg4: memref<20x16384xi32, #tpu.memory_space<hbm>>, %arg5: memref<1000000x64xf32, #tpu.memory_space<hbm>>, %arg6: memref<1000000x64xf32, #tpu.memory_space<hbm>>, %arg7: memref<16384x64xf32, #tpu.memory_space<hbm>>, %arg8: memref<16384x64xf32, #tpu.memory_space<hbm>>, %arg9: memref<16384x20x64xf32, #tpu.memory_space<hbm>>, %arg10: memref<22x512xi32, #tpu.memory_space<vmem>>, %arg11: memref<512x64xf32, #tpu.memory_space<vmem>>, %arg12: memref<512x64xf32, #tpu.memory_space<vmem>>, %arg13: memref<512x64xf32, #tpu.memory_space<vmem>>, %arg14: memref<!tpu.dma_semaphore, #tpu.memory_space<semaphore_mem>>, %arg15: memref<!tpu.dma_semaphore, #tpu.memory_space<semaphore_mem>>, %arg16: memref<!tpu.dma_semaphore, #tpu.memory_space<semaphore_mem>>, %arg17: memref<!tpu.dma_semaphore, #tpu.memory_space<semaphore_mem>>, %arg18: memref<!tpu.dma_semaphore, #tpu.memory_space<semaphore_mem>>, %arg19: memref<!tpu.dma_semaphore, #tpu.memory_space<semaphore_mem>>, %arg20: memref<!tpu.dma_semaphore, #tpu.memory_space<semaphore_mem>>) attributes {dimension_semantics = [#tpu.dimension_semantics<core_parallel>, #tpu.dimension_semantics<subcore_parallel>], iteration_bounds = array<i64: 2, 16>, scalar_prefetch = 0 : i64, scratch_operands = 11 : i64, tpu.core_type = #tpu.core_type<sc_vector_subcore>, window_params = [{transform_indices = #map}, {transform_indices = #map}, {transform_indices = #map}, {transform_indices = #map}, {transform_indices = #map}, {transform_indices = #map}, {transform_indices = #map}, {transform_indices = #map1}]} {
    %mul3A = arith.constant 2 : i32
    %mul3A_0 = arith.muli %arg1, %mul3A : i32
    %add3A = arith.addi %mul3A_0, %arg0 : i32
    %mul3A_1 = arith.constant 512 : i32
    %mul3A_2 = arith.muli %add3A, %mul3A_1 : i32
    %multiple_of3A = tpu.assume_multiple %mul3A_2, 512 : i32
    %dma_start3A = arith.constant 0 : i32
    %dma_start3A_3 = arith.constant 0 : i32
    %dma_start3A_4 = tpu.memref_slice %arg10[%dma_start3A, %dma_start3A_3] : memref<22x512xi32, #tpu.memory_space<vmem>> -> memref<1x512xi32, #tpu.memory_space<vmem>>
    %dma_start3A_5 = arith.constant 0 : i32
    %dma_start3A_6 = tpu.memref_slice %arg2[%dma_start3A_5, %multiple_of3A] : memref<1x16384xi32, #tpu.memory_space<hbm>> -> memref<1x512xi32, #tpu.memory_space<hbm>>
    %dma_start3A_7 = arith.constant 0 : i32
    %dma_start3A_8 = arith.constant 0 : i32
    %dma_start3A_9 = tpu.memref_slice %arg10[%dma_start3A_7, %dma_start3A_8] : memref<22x512xi32, #tpu.memory_space<vmem>> -> memref<1x512xi32, #tpu.memory_space<vmem>>
    %dma_start3A_10 = arith.constant 0 : i32
    %dma_start3A_11 = tpu.memref_slice %arg2[%dma_start3A_10, %multiple_of3A] : memref<1x16384xi32, #tpu.memory_space<hbm>> -> memref<1x512xi32, #tpu.memory_space<hbm>>
    tpu.enqueue_dma source(%dma_start3A_11 : memref<1x512xi32, #tpu.memory_space<hbm>>) target(%dma_start3A_9 : memref<1x512xi32, #tpu.memory_space<vmem>>) target_semaphore(%arg14 : memref<!tpu.dma_semaphore, #tpu.memory_space<semaphore_mem>>)
    %dma_start3A_12 = arith.constant 1 : i32
    %dma_start3A_13 = arith.constant 0 : i32
    %dma_start3A_14 = tpu.memref_slice %arg10[%dma_start3A_12, %dma_start3A_13] : memref<22x512xi32, #tpu.memory_space<vmem>> -> memref<1x512xi32, #tpu.memory_space<vmem>>
    %dma_start3A_15 = arith.constant 0 : i32
    %dma_start3A_16 = tpu.memref_slice %arg3[%dma_start3A_15, %multiple_of3A] : memref<1x16384xi32, #tpu.memory_space<hbm>> -> memref<1x512xi32, #tpu.memory_space<hbm>>
    %dma_start3A_17 = arith.constant 1 : i32
    %dma_start3A_18 = arith.constant 0 : i32
    %dma_start3A_19 = tpu.memref_slice %arg10[%dma_start3A_17, %dma_start3A_18] : memref<22x512xi32, #tpu.memory_space<vmem>> -> memref<1x512xi32, #tpu.memory_space<vmem>>
    %dma_start3A_20 = arith.constant 0 : i32
    %dma_start3A_21 = tpu.memref_slice %arg3[%dma_start3A_20, %multiple_of3A] : memref<1x16384xi32, #tpu.memory_space<hbm>> -> memref<1x512xi32, #tpu.memory_space<hbm>>
    tpu.enqueue_dma source(%dma_start3A_21 : memref<1x512xi32, #tpu.memory_space<hbm>>) target(%dma_start3A_19 : memref<1x512xi32, #tpu.memory_space<vmem>>) target_semaphore(%arg14 : memref<!tpu.dma_semaphore, #tpu.memory_space<semaphore_mem>>)
    %dma_start3A_22 = arith.constant 2 : i32
    %dma_start3A_23 = arith.constant 0 : i32
    %dma_start3A_24 = tpu.memref_slice %arg10[%dma_start3A_22, %dma_start3A_23] : memref<22x512xi32, #tpu.memory_space<vmem>> -> memref<20x512xi32, #tpu.memory_space<vmem>>
    %dma_start3A_25 = arith.constant 0 : i32
    %dma_start3A_26 = tpu.memref_slice %arg4[%dma_start3A_25, %multiple_of3A] : memref<20x16384xi32, #tpu.memory_space<hbm>> -> memref<20x512xi32, #tpu.memory_space<hbm>>
    %dma_start3A_27 = arith.constant 2 : i32
    %dma_start3A_28 = arith.constant 0 : i32
    %dma_start3A_29 = tpu.memref_slice %arg10[%dma_start3A_27, %dma_start3A_28] : memref<22x512xi32, #tpu.memory_space<vmem>> -> memref<20x512xi32, #tpu.memory_space<vmem>>
    %dma_start3A_30 = arith.constant 0 : i32
    %dma_start3A_31 = tpu.memref_slice %arg4[%dma_start3A_30, %multiple_of3A] : memref<20x16384xi32, #tpu.memory_space<hbm>> -> memref<20x512xi32, #tpu.memory_space<hbm>>
    tpu.enqueue_dma source(%dma_start3A_31 : memref<20x512xi32, #tpu.memory_space<hbm>>) target(%dma_start3A_29 : memref<20x512xi32, #tpu.memory_space<vmem>>) target_semaphore(%arg14 : memref<!tpu.dma_semaphore, #tpu.memory_space<semaphore_mem>>)
    %dma_wait3A = arith.constant 0 : i32
    %dma_wait3A_32 = arith.constant 0 : i32
    %dma_wait3A_33 = tpu.memref_slice %arg10[%dma_wait3A, %dma_wait3A_32] : memref<22x512xi32, #tpu.memory_space<vmem>> -> memref<1x512xi32, #tpu.memory_space<vmem>>
    %dma_wait3A_34 = arith.constant 0 : i32
    %dma_wait3A_35 = tpu.memref_slice %arg2[%dma_wait3A_34, %multiple_of3A] : memref<1x16384xi32, #tpu.memory_space<hbm>> -> memref<1x512xi32, #tpu.memory_space<hbm>>
    %dma_wait3A_36 = arith.constant 0 : i32
    %dma_wait3A_37 = arith.constant 0 : i32
    %dma_wait3A_38 = tpu.memref_slice %arg10[%dma_wait3A_36, %dma_wait3A_37] : memref<22x512xi32, #tpu.memory_space<vmem>> -> memref<1x512xi32, #tpu.memory_space<vmem>>
    %dma_wait3A_39 = arith.constant 0 : i32
    %dma_wait3A_40 = tpu.memref_slice %arg2[%dma_wait3A_39, %multiple_of3A] : memref<1x16384xi32, #tpu.memory_space<hbm>> -> memref<1x512xi32, #tpu.memory_space<hbm>>
    tpu.wait_dma2 semaphore(%arg14 : memref<!tpu.dma_semaphore, #tpu.memory_space<semaphore_mem>>) src(%dma_wait3A_40 : memref<1x512xi32, #tpu.memory_space<hbm>>) dst(%dma_wait3A_38 : memref<1x512xi32, #tpu.memory_space<vmem>>)
    %dma_wait3A_41 = arith.constant 1 : i32
    %dma_wait3A_42 = arith.constant 0 : i32
    %dma_wait3A_43 = tpu.memref_slice %arg10[%dma_wait3A_41, %dma_wait3A_42] : memref<22x512xi32, #tpu.memory_space<vmem>> -> memref<1x512xi32, #tpu.memory_space<vmem>>
    %dma_wait3A_44 = arith.constant 0 : i32
    %dma_wait3A_45 = tpu.memref_slice %arg3[%dma_wait3A_44, %multiple_of3A] : memref<1x16384xi32, #tpu.memory_space<hbm>> -> memref<1x512xi32, #tpu.memory_space<hbm>>
    %dma_wait3A_46 = arith.constant 1 : i32
    %dma_wait3A_47 = arith.constant 0 : i32
    %dma_wait3A_48 = tpu.memref_slice %arg10[%dma_wait3A_46, %dma_wait3A_47] : memref<22x512xi32, #tpu.memory_space<vmem>> -> memref<1x512xi32, #tpu.memory_space<vmem>>
    %dma_wait3A_49 = arith.constant 0 : i32
    %dma_wait3A_50 = tpu.memref_slice %arg3[%dma_wait3A_49, %multiple_of3A] : memref<1x16384xi32, #tpu.memory_space<hbm>> -> memref<1x512xi32, #tpu.memory_space<hbm>>
    tpu.wait_dma2 semaphore(%arg14 : memref<!tpu.dma_semaphore, #tpu.memory_space<semaphore_mem>>) src(%dma_wait3A_50 : memref<1x512xi32, #tpu.memory_space<hbm>>) dst(%dma_wait3A_48 : memref<1x512xi32, #tpu.memory_space<vmem>>)
    %dma_wait3A_51 = arith.constant 2 : i32
    %dma_wait3A_52 = arith.constant 0 : i32
    %dma_wait3A_53 = tpu.memref_slice %arg10[%dma_wait3A_51, %dma_wait3A_52] : memref<22x512xi32, #tpu.memory_space<vmem>> -> memref<20x512xi32, #tpu.memory_space<vmem>>
    %dma_wait3A_54 = arith.constant 0 : i32
    %dma_wait3A_55 = tpu.memref_slice %arg4[%dma_wait3A_54, %multiple_of3A] : memref<20x16384xi32, #tpu.memory_space<hbm>> -> memref<20x512xi32, #tpu.memory_space<hbm>>
    %dma_wait3A_56 = arith.constant 2 : i32
    %dma_wait3A_57 = arith.constant 0 : i32
    %dma_wait3A_58 = tpu.memref_slice %arg10[%dma_wait3A_56, %dma_wait3A_57] : memref<22x512xi32, #tpu.memory_space<vmem>> -> memref<20x512xi32, #tpu.memory_space<vmem>>
    %dma_wait3A_59 = arith.constant 0 : i32
    %dma_wait3A_60 = tpu.memref_slice %arg4[%dma_wait3A_59, %multiple_of3A] : memref<20x16384xi32, #tpu.memory_space<hbm>> -> memref<20x512xi32, #tpu.memory_space<hbm>>
    tpu.wait_dma2 semaphore(%arg14 : memref<!tpu.dma_semaphore, #tpu.memory_space<semaphore_mem>>) src(%dma_wait3A_60 : memref<20x512xi32, #tpu.memory_space<hbm>>) dst(%dma_wait3A_58 : memref<20x512xi32, #tpu.memory_space<vmem>>)
    %dma_start3A_61 = arith.constant 0 : i32
    %dma_start3A_62 = arith.constant 0 : i32
    %dma_start3A_63 = tpu.memref_slice %arg10[%dma_start3A_61, %dma_start3A_62] : memref<22x512xi32, #tpu.memory_space<vmem>> -> memref<1x512xi32, #tpu.memory_space<vmem>>
    %dma_start3A_64 = tpu.memref_squeeze %dma_start3A_63 : memref<1x512xi32, #tpu.memory_space<vmem>> -> memref<512xi32, #tpu.memory_space<vmem>>
    %dma_start3A_65 = arith.constant 0 : i32
    %dma_start3A_66 = arith.constant 0 : i32
    %dma_start3A_67 = tpu.memref_slice %arg5[%dma_start3A_65, %dma_start3A_66] : memref<1000000x64xf32, #tpu.memory_space<hbm>> -> memref<1000000x64xf32, #tpu.memory_space<hbm>>
    tpu.enqueue_indirect_dma source(%dma_start3A_67 : memref<1000000x64xf32, #tpu.memory_space<hbm>>) target(%arg11 : memref<512x64xf32, #tpu.memory_space<vmem>>) offsets(%dma_start3A_64 : memref<512xi32, #tpu.memory_space<vmem>>) semaphore(%arg15 : memref<!tpu.dma_semaphore, #tpu.memory_space<semaphore_mem>>)
    %dma_start3A_68 = arith.constant 1 : i32
    %dma_start3A_69 = arith.constant 0 : i32
    %dma_start3A_70 = tpu.memref_slice %arg10[%dma_start3A_68, %dma_start3A_69] : memref<22x512xi32, #tpu.memory_space<vmem>> -> memref<1x512xi32, #tpu.memory_space<vmem>>
    %dma_start3A_71 = tpu.memref_squeeze %dma_start3A_70 : memref<1x512xi32, #tpu.memory_space<vmem>> -> memref<512xi32, #tpu.memory_space<vmem>>
    %dma_start3A_72 = arith.constant 0 : i32
    %dma_start3A_73 = arith.constant 0 : i32
    %dma_start3A_74 = tpu.memref_slice %arg6[%dma_start3A_72, %dma_start3A_73] : memref<1000000x64xf32, #tpu.memory_space<hbm>> -> memref<1000000x64xf32, #tpu.memory_space<hbm>>
    tpu.enqueue_indirect_dma source(%dma_start3A_74 : memref<1000000x64xf32, #tpu.memory_space<hbm>>) target(%arg12 : memref<512x64xf32, #tpu.memory_space<vmem>>) offsets(%dma_start3A_71 : memref<512xi32, #tpu.memory_space<vmem>>) semaphore(%arg16 : memref<!tpu.dma_semaphore, #tpu.memory_space<semaphore_mem>>)
    %dma_wait3A_75 = arith.constant 0 : i32
    %dma_wait3A_76 = arith.constant 0 : i32
    %dma_wait3A_77 = tpu.memref_slice %arg10[%dma_wait3A_75, %dma_wait3A_76] : memref<22x512xi32, #tpu.memory_space<vmem>> -> memref<1x512xi32, #tpu.memory_space<vmem>>
    %dma_wait3A_78 = tpu.memref_squeeze %dma_wait3A_77 : memref<1x512xi32, #tpu.memory_space<vmem>> -> memref<512xi32, #tpu.memory_space<vmem>>
    %dma_wait3A_79 = arith.constant 0 : i32
    %dma_wait3A_80 = arith.constant 0 : i32
    %dma_wait3A_81 = tpu.memref_slice %arg5[%dma_wait3A_79, %dma_wait3A_80] : memref<1000000x64xf32, #tpu.memory_space<hbm>> -> memref<1000000x64xf32, #tpu.memory_space<hbm>>
    tpu.wait_indirect_dma semaphore(%arg15 : memref<!tpu.dma_semaphore, #tpu.memory_space<semaphore_mem>>) src(%dma_wait3A_81 : memref<1000000x64xf32, #tpu.memory_space<hbm>>) dst(%arg11 : memref<512x64xf32, #tpu.memory_space<vmem>>)
    %dma_start3A_82 = arith.constant 0 : i32
    %dma_start3A_83 = tpu.memref_slice %arg7[%multiple_of3A, %dma_start3A_82] : memref<16384x64xf32, #tpu.memory_space<hbm>> -> memref<512x64xf32, #tpu.memory_space<hbm>>
    %dma_start3A_84 = arith.constant 0 : i32
    %dma_start3A_85 = tpu.memref_slice %arg7[%multiple_of3A, %dma_start3A_84] : memref<16384x64xf32, #tpu.memory_space<hbm>> -> memref<512x64xf32, #tpu.memory_space<hbm>>
    tpu.enqueue_dma source(%arg11 : memref<512x64xf32, #tpu.memory_space<vmem>>) target(%dma_start3A_85 : memref<512x64xf32, #tpu.memory_space<hbm>>) target_semaphore(%arg18 : memref<!tpu.dma_semaphore, #tpu.memory_space<semaphore_mem>>)
    %dma_start3A_86 = arith.constant 2 : i32
    %dma_start3A_87 = arith.constant 0 : i32
    %dma_start3A_88 = tpu.memref_slice %arg10[%dma_start3A_86, %dma_start3A_87] : memref<22x512xi32, #tpu.memory_space<vmem>> -> memref<1x512xi32, #tpu.memory_space<vmem>>
    %dma_start3A_89 = tpu.memref_squeeze %dma_start3A_88 : memref<1x512xi32, #tpu.memory_space<vmem>> -> memref<512xi32, #tpu.memory_space<vmem>>
    %dma_start3A_90 = arith.constant 0 : i32
    %dma_start3A_91 = arith.constant 0 : i32
    %dma_start3A_92 = tpu.memref_slice %arg6[%dma_start3A_90, %dma_start3A_91] : memref<1000000x64xf32, #tpu.memory_space<hbm>> -> memref<1000000x64xf32, #tpu.memory_space<hbm>>
    tpu.enqueue_indirect_dma source(%dma_start3A_92 : memref<1000000x64xf32, #tpu.memory_space<hbm>>) target(%arg13 : memref<512x64xf32, #tpu.memory_space<vmem>>) offsets(%dma_start3A_89 : memref<512xi32, #tpu.memory_space<vmem>>) semaphore(%arg17 : memref<!tpu.dma_semaphore, #tpu.memory_space<semaphore_mem>>)
    %dma_wait3A_93 = arith.constant 1 : i32
    %dma_wait3A_94 = arith.constant 0 : i32
    %dma_wait3A_95 = tpu.memref_slice %arg10[%dma_wait3A_93, %dma_wait3A_94] : memref<22x512xi32, #tpu.memory_space<vmem>> -> memref<1x512xi32, #tpu.memory_space<vmem>>
    %dma_wait3A_96 = tpu.memref_squeeze %dma_wait3A_95 : memref<1x512xi32, #tpu.memory_space<vmem>> -> memref<512xi32, #tpu.memory_space<vmem>>
    %dma_wait3A_97 = arith.constant 0 : i32
    %dma_wait3A_98 = arith.constant 0 : i32
    %dma_wait3A_99 = tpu.memref_slice %arg6[%dma_wait3A_97, %dma_wait3A_98] : memref<1000000x64xf32, #tpu.memory_space<hbm>> -> memref<1000000x64xf32, #tpu.memory_space<hbm>>
    tpu.wait_indirect_dma semaphore(%arg16 : memref<!tpu.dma_semaphore, #tpu.memory_space<semaphore_mem>>) src(%dma_wait3A_99 : memref<1000000x64xf32, #tpu.memory_space<hbm>>) dst(%arg12 : memref<512x64xf32, #tpu.memory_space<vmem>>)
    %dma_start3A_100 = arith.constant 0 : i32
    %dma_start3A_101 = tpu.memref_slice %arg8[%multiple_of3A, %dma_start3A_100] : memref<16384x64xf32, #tpu.memory_space<hbm>> -> memref<512x64xf32, #tpu.memory_space<hbm>>
    %dma_start3A_102 = arith.constant 0 : i32
    %dma_start3A_103 = tpu.memref_slice %arg8[%multiple_of3A, %dma_start3A_102] : memref<16384x64xf32, #tpu.memory_space<hbm>> -> memref<512x64xf32, #tpu.memory_space<hbm>>
    tpu.enqueue_dma source(%arg12 : memref<512x64xf32, #tpu.memory_space<vmem>>) target(%dma_start3A_103 : memref<512x64xf32, #tpu.memory_space<hbm>>) target_semaphore(%arg19 : memref<!tpu.dma_semaphore, #tpu.memory_space<semaphore_mem>>)
    %dma_wait3A_104 = arith.constant 0 : i32
    %dma_wait3A_105 = tpu.memref_slice %arg7[%multiple_of3A, %dma_wait3A_104] : memref<16384x64xf32, #tpu.memory_space<hbm>> -> memref<512x64xf32, #tpu.memory_space<hbm>>
    %dma_wait3A_106 = arith.constant 0 : i32
    %dma_wait3A_107 = tpu.memref_slice %arg7[%multiple_of3A, %dma_wait3A_106] : memref<16384x64xf32, #tpu.memory_space<hbm>> -> memref<512x64xf32, #tpu.memory_space<hbm>>
    tpu.wait_dma2 semaphore(%arg18 : memref<!tpu.dma_semaphore, #tpu.memory_space<semaphore_mem>>) src(%arg11 : memref<512x64xf32, #tpu.memory_space<vmem>>) dst(%dma_wait3A_107 : memref<512x64xf32, #tpu.memory_space<hbm>>)
    %dma_start3A_108 = arith.constant 3 : i32
    %dma_start3A_109 = arith.constant 0 : i32
    %dma_start3A_110 = tpu.memref_slice %arg10[%dma_start3A_108, %dma_start3A_109] : memref<22x512xi32, #tpu.memory_space<vmem>> -> memref<1x512xi32, #tpu.memory_space<vmem>>
    %dma_start3A_111 = tpu.memref_squeeze %dma_start3A_110 : memref<1x512xi32, #tpu.memory_space<vmem>> -> memref<512xi32, #tpu.memory_space<vmem>>
    %dma_start3A_112 = arith.constant 0 : i32
    %dma_start3A_113 = arith.constant 0 : i32
    %dma_start3A_114 = tpu.memref_slice %arg6[%dma_start3A_112, %dma_start3A_113] : memref<1000000x64xf32, #tpu.memory_space<hbm>> -> memref<1000000x64xf32, #tpu.memory_space<hbm>>
    tpu.enqueue_indirect_dma source(%dma_start3A_114 : memref<1000000x64xf32, #tpu.memory_space<hbm>>) target(%arg11 : memref<512x64xf32, #tpu.memory_space<vmem>>) offsets(%dma_start3A_111 : memref<512xi32, #tpu.memory_space<vmem>>) semaphore(%arg15 : memref<!tpu.dma_semaphore, #tpu.memory_space<semaphore_mem>>)
    %dma_wait3A_115 = arith.constant 2 : i32
    %dma_wait3A_116 = arith.constant 0 : i32
    %dma_wait3A_117 = tpu.memref_slice %arg10[%dma_wait3A_115, %dma_wait3A_116] : memref<22x512xi32, #tpu.memory_space<vmem>> -> memref<1x512xi32, #tpu.memory_space<vmem>>
    %dma_wait3A_118 = tpu.memref_squeeze %dma_wait3A_117 : memref<1x512xi32, #tpu.memory_space<vmem>> -> memref<512xi32, #tpu.memory_space<vmem>>
    %dma_wait3A_119 = arith.constant 0 : i32
    %dma_wait3A_120 = arith.constant 0 : i32
    %dma_wait3A_121 = tpu.memref_slice %arg6[%dma_wait3A_119, %dma_wait3A_120] : memref<1000000x64xf32, #tpu.memory_space<hbm>> -> memref<1000000x64xf32, #tpu.memory_space<hbm>>
    tpu.wait_indirect_dma semaphore(%arg17 : memref<!tpu.dma_semaphore, #tpu.memory_space<semaphore_mem>>) src(%dma_wait3A_121 : memref<1000000x64xf32, #tpu.memory_space<hbm>>) dst(%arg13 : memref<512x64xf32, #tpu.memory_space<vmem>>)
    %dma_start3A_122 = arith.constant 0 : i32
    %dma_start3A_123 = arith.constant 0 : i32
    %dma_start3A_124 = tpu.memref_slice %arg9[%multiple_of3A, %dma_start3A_122, %dma_start3A_123] : memref<16384x20x64xf32, #tpu.memory_space<hbm>> -> memref<512x1x64xf32, #tpu.memory_space<hbm>>
    %dma_start3A_125 = tpu.memref_squeeze %dma_start3A_124 : memref<512x1x64xf32, #tpu.memory_space<hbm>> -> memref<512x64xf32, #tpu.memory_space<hbm>>
    %dma_start3A_126 = arith.constant 0 : i32
    %dma_start3A_127 = tpu.memref_slice %arg9[%multiple_of3A, %dma_start3A_122, %dma_start3A_126] : memref<16384x20x64xf32, #tpu.memory_space<hbm>> -> memref<512x1x64xf32, #tpu.memory_space<hbm>>
    %dma_start3A_128 = tpu.memref_squeeze %dma_start3A_127 : memref<512x1x64xf32, #tpu.memory_space<hbm>> -> memref<512x64xf32, #tpu.memory_space<hbm>>
    tpu.enqueue_dma source(%arg13 : memref<512x64xf32, #tpu.memory_space<vmem>>) target(%dma_start3A_128 : memref<512x64xf32, #tpu.memory_space<hbm>>) target_semaphore(%arg20 : memref<!tpu.dma_semaphore, #tpu.memory_space<semaphore_mem>>)
    %dma_wait3A_129 = arith.constant 0 : i32
    %dma_wait3A_130 = tpu.memref_slice %arg8[%multiple_of3A, %dma_wait3A_129] : memref<16384x64xf32, #tpu.memory_space<hbm>> -> memref<512x64xf32, #tpu.memory_space<hbm>>
    %dma_wait3A_131 = arith.constant 0 : i32
    %dma_wait3A_132 = tpu.memref_slice %arg8[%multiple_of3A, %dma_wait3A_131] : memref<16384x64xf32, #tpu.memory_space<hbm>> -> memref<512x64xf32, #tpu.memory_space<hbm>>
    tpu.wait_dma2 semaphore(%arg19 : memref<!tpu.dma_semaphore, #tpu.memory_space<semaphore_mem>>) src(%arg12 : memref<512x64xf32, #tpu.memory_space<vmem>>) dst(%dma_wait3A_132 : memref<512x64xf32, #tpu.memory_space<hbm>>)
    %dma_start3A_133 = arith.constant 4 : i32
    %dma_start3A_134 = arith.constant 0 : i32
    %dma_start3A_135 = tpu.memref_slice %arg10[%dma_start3A_133, %dma_start3A_134] : memref<22x512xi32, #tpu.memory_space<vmem>> -> memref<1x512xi32, #tpu.memory_space<vmem>>
    %dma_start3A_136 = tpu.memref_squeeze %dma_start3A_135 : memref<1x512xi32, #tpu.memory_space<vmem>> -> memref<512xi32, #tpu.memory_space<vmem>>
    %dma_start3A_137 = arith.constant 0 : i32
    %dma_start3A_138 = arith.constant 0 : i32
    %dma_start3A_139 = tpu.memref_slice %arg6[%dma_start3A_137, %dma_start3A_138] : memref<1000000x64xf32, #tpu.memory_space<hbm>> -> memref<1000000x64xf32, #tpu.memory_space<hbm>>
    tpu.enqueue_indirect_dma source(%dma_start3A_139 : memref<1000000x64xf32, #tpu.memory_space<hbm>>) target(%arg12 : memref<512x64xf32, #tpu.memory_space<vmem>>) offsets(%dma_start3A_136 : memref<512xi32, #tpu.memory_space<vmem>>) semaphore(%arg16 : memref<!tpu.dma_semaphore, #tpu.memory_space<semaphore_mem>>)
    %dma_wait3A_140 = arith.constant 3 : i32
    %dma_wait3A_141 = arith.constant 0 : i32
    %dma_wait3A_142 = tpu.memref_slice %arg10[%dma_wait3A_140, %dma_wait3A_141] : memref<22x512xi32, #tpu.memory_space<vmem>> -> memref<1x512xi32, #tpu.memory_space<vmem>>
    %dma_wait3A_143 = tpu.memref_squeeze %dma_wait3A_142 : memref<1x512xi32, #tpu.memory_space<vmem>> -> memref<512xi32, #tpu.memory_space<vmem>>
    %dma_wait3A_144 = arith.constant 0 : i32
    %dma_wait3A_145 = arith.constant 0 : i32
    %dma_wait3A_146 = tpu.memref_slice %arg6[%dma_wait3A_144, %dma_wait3A_145] : memref<1000000x64xf32, #tpu.memory_space<hbm>> -> memref<1000000x64xf32, #tpu.memory_space<hbm>>
    tpu.wait_indirect_dma semaphore(%arg15 : memref<!tpu.dma_semaphore, #tpu.memory_space<semaphore_mem>>) src(%dma_wait3A_146 : memref<1000000x64xf32, #tpu.memory_space<hbm>>) dst(%arg11 : memref<512x64xf32, #tpu.memory_space<vmem>>)
    %dma_start3A_147 = arith.constant 1 : i32
    %dma_start3A_148 = arith.constant 0 : i32
    %dma_start3A_149 = tpu.memref_slice %arg9[%multiple_of3A, %dma_start3A_147, %dma_start3A_148] : memref<16384x20x64xf32, #tpu.memory_space<hbm>> -> memref<512x1x64xf32, #tpu.memory_space<hbm>>
    %dma_start3A_150 = tpu.memref_squeeze %dma_start3A_149 : memref<512x1x64xf32, #tpu.memory_space<hbm>> -> memref<512x64xf32, #tpu.memory_space<hbm>>
    %dma_start3A_151 = arith.constant 0 : i32
    %dma_start3A_152 = tpu.memref_slice %arg9[%multiple_of3A, %dma_start3A_147, %dma_start3A_151] : memref<16384x20x64xf32, #tpu.memory_space<hbm>> -> memref<512x1x64xf32, #tpu.memory_space<hbm>>
    %dma_start3A_153 = tpu.memref_squeeze %dma_start3A_152 : memref<512x1x64xf32, #tpu.memory_space<hbm>> -> memref<512x64xf32, #tpu.memory_space<hbm>>
    tpu.enqueue_dma source(%arg11 : memref<512x64xf32, #tpu.memory_space<vmem>>) target(%dma_start3A_153 : memref<512x64xf32, #tpu.memory_space<hbm>>) target_semaphore(%arg18 : memref<!tpu.dma_semaphore, #tpu.memory_space<semaphore_mem>>)
    %dma_wait3A_154 = arith.constant 0 : i32
    %dma_wait3A_155 = arith.constant 0 : i32
    %dma_wait3A_156 = tpu.memref_slice %arg9[%multiple_of3A, %dma_wait3A_154, %dma_wait3A_155] : memref<16384x20x64xf32, #tpu.memory_space<hbm>> -> memref<512x1x64xf32, #tpu.memory_space<hbm>>
    %dma_wait3A_157 = tpu.memref_squeeze %dma_wait3A_156 : memref<512x1x64xf32, #tpu.memory_space<hbm>> -> memref<512x64xf32, #tpu.memory_space<hbm>>
    %dma_wait3A_158 = arith.constant 0 : i32
    %dma_wait3A_159 = tpu.memref_slice %arg9[%multiple_of3A, %dma_wait3A_154, %dma_wait3A_158] : memref<16384x20x64xf32, #tpu.memory_space<hbm>> -> memref<512x1x64xf32, #tpu.memory_space<hbm>>
    %dma_wait3A_160 = tpu.memref_squeeze %dma_wait3A_159 : memref<512x1x64xf32, #tpu.memory_space<hbm>> -> memref<512x64xf32, #tpu.memory_space<hbm>>
    tpu.wait_dma2 semaphore(%arg20 : memref<!tpu.dma_semaphore, #tpu.memory_space<semaphore_mem>>) src(%arg13 : memref<512x64xf32, #tpu.memory_space<vmem>>) dst(%dma_wait3A_160 : memref<512x64xf32, #tpu.memory_space<hbm>>)
    %dma_start3A_161 = arith.constant 5 : i32
    %dma_start3A_162 = arith.constant 0 : i32
    %dma_start3A_163 = tpu.memref_slice %arg10[%dma_start3A_161, %dma_start3A_162] : memref<22x512xi32, #tpu.memory_space<vmem>> -> memref<1x512xi32, #tpu.memory_space<vmem>>
    %dma_start3A_164 = tpu.memref_squeeze %dma_start3A_163 : memref<1x512xi32, #tpu.memory_space<vmem>> -> memref<512xi32, #tpu.memory_space<vmem>>
    %dma_start3A_165 = arith.constant 0 : i32
    %dma_start3A_166 = arith.constant 0 : i32
    %dma_start3A_167 = tpu.memref_slice %arg6[%dma_start3A_165, %dma_start3A_166] : memref<1000000x64xf32, #tpu.memory_space<hbm>> -> memref<1000000x64xf32, #tpu.memory_space<hbm>>
    tpu.enqueue_indirect_dma source(%dma_start3A_167 : memref<1000000x64xf32, #tpu.memory_space<hbm>>) target(%arg13 : memref<512x64xf32, #tpu.memory_space<vmem>>) offsets(%dma_start3A_164 : memref<512xi32, #tpu.memory_space<vmem>>) semaphore(%arg17 : memref<!tpu.dma_semaphore, #tpu.memory_space<semaphore_mem>>)
    %dma_wait3A_168 = arith.constant 4 : i32
    %dma_wait3A_169 = arith.constant 0 : i32
    %dma_wait3A_170 = tpu.memref_slice %arg10[%dma_wait3A_168, %dma_wait3A_169] : memref<22x512xi32, #tpu.memory_space<vmem>> -> memref<1x512xi32, #tpu.memory_space<vmem>>
    %dma_wait3A_171 = tpu.memref_squeeze %dma_wait3A_170 : memref<1x512xi32, #tpu.memory_space<vmem>> -> memref<512xi32, #tpu.memory_space<vmem>>
    %dma_wait3A_172 = arith.constant 0 : i32
    %dma_wait3A_173 = arith.constant 0 : i32
    %dma_wait3A_174 = tpu.memref_slice %arg6[%dma_wait3A_172, %dma_wait3A_173] : memref<1000000x64xf32, #tpu.memory_space<hbm>> -> memref<1000000x64xf32, #tpu.memory_space<hbm>>
    tpu.wait_indirect_dma semaphore(%arg16 : memref<!tpu.dma_semaphore, #tpu.memory_space<semaphore_mem>>) src(%dma_wait3A_174 : memref<1000000x64xf32, #tpu.memory_space<hbm>>) dst(%arg12 : memref<512x64xf32, #tpu.memory_space<vmem>>)
    %dma_start3A_175 = arith.constant 2 : i32
    %dma_start3A_176 = arith.constant 0 : i32
    %dma_start3A_177 = tpu.memref_slice %arg9[%multiple_of3A, %dma_start3A_175, %dma_start3A_176] : memref<16384x20x64xf32, #tpu.memory_space<hbm>> -> memref<512x1x64xf32, #tpu.memory_space<hbm>>
    %dma_start3A_178 = tpu.memref_squeeze %dma_start3A_177 : memref<512x1x64xf32, #tpu.memory_space<hbm>> -> memref<512x64xf32, #tpu.memory_space<hbm>>
    %dma_start3A_179 = arith.constant 0 : i32
    %dma_start3A_180 = tpu.memref_slice %arg9[%multiple_of3A, %dma_start3A_175, %dma_start3A_179] : memref<16384x20x64xf32, #tpu.memory_space<hbm>> -> memref<512x1x64xf32, #tpu.memory_space<hbm>>
    %dma_start3A_181 = tpu.memref_squeeze %dma_start3A_180 : memref<512x1x64xf32, #tpu.memory_space<hbm>> -> memref<512x64xf32, #tpu.memory_space<hbm>>
    tpu.enqueue_dma source(%arg12 : memref<512x64xf32, #tpu.memory_space<vmem>>) target(%dma_start3A_181 : memref<512x64xf32, #tpu.memory_space<hbm>>) target_semaphore(%arg19 : memref<!tpu.dma_semaphore, #tpu.memory_space<semaphore_mem>>)
    %dma_wait3A_182 = arith.constant 1 : i32
    %dma_wait3A_183 = arith.constant 0 : i32
    %dma_wait3A_184 = tpu.memref_slice %arg9[%multiple_of3A, %dma_wait3A_182, %dma_wait3A_183] : memref<16384x20x64xf32, #tpu.memory_space<hbm>> -> memref<512x1x64xf32, #tpu.memory_space<hbm>>
    %dma_wait3A_185 = tpu.memref_squeeze %dma_wait3A_184 : memref<512x1x64xf32, #tpu.memory_space<hbm>> -> memref<512x64xf32, #tpu.memory_space<hbm>>
    %dma_wait3A_186 = arith.constant 0 : i32
    %dma_wait3A_187 = tpu.memref_slice %arg9[%multiple_of3A, %dma_wait3A_182, %dma_wait3A_186] : memref<16384x20x64xf32, #tpu.memory_space<hbm>> -> memref<512x1x64xf32, #tpu.memory_space<hbm>>
    %dma_wait3A_188 = tpu.memref_squeeze %dma_wait3A_187 : memref<512x1x64xf32, #tpu.memory_space<hbm>> -> memref<512x64xf32, #tpu.memory_space<hbm>>
    tpu.wait_dma2 semaphore(%arg18 : memref<!tpu.dma_semaphore, #tpu.memory_space<semaphore_mem>>) src(%arg11 : memref<512x64xf32, #tpu.memory_space<vmem>>) dst(%dma_wait3A_188 : memref<512x64xf32, #tpu.memory_space<hbm>>)
    %dma_start3A_189 = arith.constant 6 : i32
    %dma_start3A_190 = arith.constant 0 : i32
    %dma_start3A_191 = tpu.memref_slice %arg10[%dma_start3A_189, %dma_start3A_190] : memref<22x512xi32, #tpu.memory_space<vmem>> -> memref<1x512xi32, #tpu.memory_space<vmem>>
    %dma_start3A_192 = tpu.memref_squeeze %dma_start3A_191 : memref<1x512xi32, #tpu.memory_space<vmem>> -> memref<512xi32, #tpu.memory_space<vmem>>
    %dma_start3A_193 = arith.constant 0 : i32
    %dma_start3A_194 = arith.constant 0 : i32
    %dma_start3A_195 = tpu.memref_slice %arg6[%dma_start3A_193, %dma_start3A_194] : memref<1000000x64xf32, #tpu.memory_space<hbm>> -> memref<1000000x64xf32, #tpu.memory_space<hbm>>
    tpu.enqueue_indirect_dma source(%dma_start3A_195 : memref<1000000x64xf32, #tpu.memory_space<hbm>>) target(%arg11 : memref<512x64xf32, #tpu.memory_space<vmem>>) offsets(%dma_start3A_192 : memref<512xi32, #tpu.memory_space<vmem>>) semaphore(%arg15 : memref<!tpu.dma_semaphore, #tpu.memory_space<semaphore_mem>>)
    %dma_wait3A_196 = arith.constant 5 : i32
    %dma_wait3A_197 = arith.constant 0 : i32
    %dma_wait3A_198 = tpu.memref_slice %arg10[%dma_wait3A_196, %dma_wait3A_197] : memref<22x512xi32, #tpu.memory_space<vmem>> -> memref<1x512xi32, #tpu.memory_space<vmem>>
    %dma_wait3A_199 = tpu.memref_squeeze %dma_wait3A_198 : memref<1x512xi32, #tpu.memory_space<vmem>> -> memref<512xi32, #tpu.memory_space<vmem>>
    %dma_wait3A_200 = arith.constant 0 : i32
    %dma_wait3A_201 = arith.constant 0 : i32
    %dma_wait3A_202 = tpu.memref_slice %arg6[%dma_wait3A_200, %dma_wait3A_201] : memref<1000000x64xf32, #tpu.memory_space<hbm>> -> memref<1000000x64xf32, #tpu.memory_space<hbm>>
    tpu.wait_indirect_dma semaphore(%arg17 : memref<!tpu.dma_semaphore, #tpu.memory_space<semaphore_mem>>) src(%dma_wait3A_202 : memref<1000000x64xf32, #tpu.memory_space<hbm>>) dst(%arg13 : memref<512x64xf32, #tpu.memory_space<vmem>>)
    %dma_start3A_203 = arith.constant 3 : i32
    %dma_start3A_204 = arith.constant 0 : i32
    %dma_start3A_205 = tpu.memref_slice %arg9[%multiple_of3A, %dma_start3A_203, %dma_start3A_204] : memref<16384x20x64xf32, #tpu.memory_space<hbm>> -> memref<512x1x64xf32, #tpu.memory_space<hbm>>
    %dma_start3A_206 = tpu.memref_squeeze %dma_start3A_205 : memref<512x1x64xf32, #tpu.memory_space<hbm>> -> memref<512x64xf32, #tpu.memory_space<hbm>>
    %dma_start3A_207 = arith.constant 0 : i32
    %dma_start3A_208 = tpu.memref_slice %arg9[%multiple_of3A, %dma_start3A_203, %dma_start3A_207] : memref<16384x20x64xf32, #tpu.memory_space<hbm>> -> memref<512x1x64xf32, #tpu.memory_space<hbm>>
    %dma_start3A_209 = tpu.memref_squeeze %dma_start3A_208 : memref<512x1x64xf32, #tpu.memory_space<hbm>> -> memref<512x64xf32, #tpu.memory_space<hbm>>
    tpu.enqueue_dma source(%arg13 : memref<512x64xf32, #tpu.memory_space<vmem>>) target(%dma_start3A_209 : memref<512x64xf32, #tpu.memory_space<hbm>>) target_semaphore(%arg20 : memref<!tpu.dma_semaphore, #tpu.memory_space<semaphore_mem>>)
    %dma_wait3A_210 = arith.constant 2 : i32
    %dma_wait3A_211 = arith.constant 0 : i32
    %dma_wait3A_212 = tpu.memref_slice %arg9[%multiple_of3A, %dma_wait3A_210, %dma_wait3A_211] : memref<16384x20x64xf32, #tpu.memory_space<hbm>> -> memref<512x1x64xf32, #tpu.memory_space<hbm>>
    %dma_wait3A_213 = tpu.memref_squeeze %dma_wait3A_212 : memref<512x1x64xf32, #tpu.memory_space<hbm>> -> memref<512x64xf32, #tpu.memory_space<hbm>>
    %dma_wait3A_214 = arith.constant 0 : i32
    %dma_wait3A_215 = tpu.memref_slice %arg9[%multiple_of3A, %dma_wait3A_210, %dma_wait3A_214] : memref<16384x20x64xf32, #tpu.memory_space<hbm>> -> memref<512x1x64xf32, #tpu.memory_space<hbm>>
    %dma_wait3A_216 = tpu.memref_squeeze %dma_wait3A_215 : memref<512x1x64xf32, #tpu.memory_space<hbm>> -> memref<512x64xf32, #tpu.memory_space<hbm>>
    tpu.wait_dma2 semaphore(%arg19 : memref<!tpu.dma_semaphore, #tpu.memory_space<semaphore_mem>>) src(%arg12 : memref<512x64xf32, #tpu.memory_space<vmem>>) dst(%dma_wait3A_216 : memref<512x64xf32, #tpu.memory_space<hbm>>)
    %dma_start3A_217 = arith.constant 7 : i32
    %dma_start3A_218 = arith.constant 0 : i32
    %dma_start3A_219 = tpu.memref_slice %arg10[%dma_start3A_217, %dma_start3A_218] : memref<22x512xi32, #tpu.memory_space<vmem>> -> memref<1x512xi32, #tpu.memory_space<vmem>>
    %dma_start3A_220 = tpu.memref_squeeze %dma_start3A_219 : memref<1x512xi32, #tpu.memory_space<vmem>> -> memref<512xi32, #tpu.memory_space<vmem>>
    %dma_start3A_221 = arith.constant 0 : i32
    %dma_start3A_222 = arith.constant 0 : i32
    %dma_start3A_223 = tpu.memref_slice %arg6[%dma_start3A_221, %dma_start3A_222] : memref<1000000x64xf32, #tpu.memory_space<hbm>> -> memref<1000000x64xf32, #tpu.memory_space<hbm>>
    tpu.enqueue_indirect_dma source(%dma_start3A_223 : memref<1000000x64xf32, #tpu.memory_space<hbm>>) target(%arg12 : memref<512x64xf32, #tpu.memory_space<vmem>>) offsets(%dma_start3A_220 : memref<512xi32, #tpu.memory_space<vmem>>) semaphore(%arg16 : memref<!tpu.dma_semaphore, #tpu.memory_space<semaphore_mem>>)
    %dma_wait3A_224 = arith.constant 6 : i32
    %dma_wait3A_225 = arith.constant 0 : i32
    %dma_wait3A_226 = tpu.memref_slice %arg10[%dma_wait3A_224, %dma_wait3A_225] : memref<22x512xi32, #tpu.memory_space<vmem>> -> memref<1x512xi32, #tpu.memory_space<vmem>>
    %dma_wait3A_227 = tpu.memref_squeeze %dma_wait3A_226 : memref<1x512xi32, #tpu.memory_space<vmem>> -> memref<512xi32, #tpu.memory_space<vmem>>
    %dma_wait3A_228 = arith.constant 0 : i32
    %dma_wait3A_229 = arith.constant 0 : i32
    %dma_wait3A_230 = tpu.memref_slice %arg6[%dma_wait3A_228, %dma_wait3A_229] : memref<1000000x64xf32, #tpu.memory_space<hbm>> -> memref<1000000x64xf32, #tpu.memory_space<hbm>>
    tpu.wait_indirect_dma semaphore(%arg15 : memref<!tpu.dma_semaphore, #tpu.memory_space<semaphore_mem>>) src(%dma_wait3A_230 : memref<1000000x64xf32, #tpu.memory_space<hbm>>) dst(%arg11 : memref<512x64xf32, #tpu.memory_space<vmem>>)
    %dma_start3A_231 = arith.constant 4 : i32
    %dma_start3A_232 = arith.constant 0 : i32
    %dma_start3A_233 = tpu.memref_slice %arg9[%multiple_of3A, %dma_start3A_231, %dma_start3A_232] : memref<16384x20x64xf32, #tpu.memory_space<hbm>> -> memref<512x1x64xf32, #tpu.memory_space<hbm>>
    %dma_start3A_234 = tpu.memref_squeeze %dma_start3A_233 : memref<512x1x64xf32, #tpu.memory_space<hbm>> -> memref<512x64xf32, #tpu.memory_space<hbm>>
    %dma_start3A_235 = arith.constant 0 : i32
    %dma_start3A_236 = tpu.memref_slice %arg9[%multiple_of3A, %dma_start3A_231, %dma_start3A_235] : memref<16384x20x64xf32, #tpu.memory_space<hbm>> -> memref<512x1x64xf32, #tpu.memory_space<hbm>>
    %dma_start3A_237 = tpu.memref_squeeze %dma_start3A_236 : memref<512x1x64xf32, #tpu.memory_space<hbm>> -> memref<512x64xf32, #tpu.memory_space<hbm>>
    tpu.enqueue_dma source(%arg11 : memref<512x64xf32, #tpu.memory_space<vmem>>) target(%dma_start3A_237 : memref<512x64xf32, #tpu.memory_space<hbm>>) target_semaphore(%arg18 : memref<!tpu.dma_semaphore, #tpu.memory_space<semaphore_mem>>)
    %dma_wait3A_238 = arith.constant 3 : i32
    %dma_wait3A_239 = arith.constant 0 : i32
    %dma_wait3A_240 = tpu.memref_slice %arg9[%multiple_of3A, %dma_wait3A_238, %dma_wait3A_239] : memref<16384x20x64xf32, #tpu.memory_space<hbm>> -> memref<512x1x64xf32, #tpu.memory_space<hbm>>
    %dma_wait3A_241 = tpu.memref_squeeze %dma_wait3A_240 : memref<512x1x64xf32, #tpu.memory_space<hbm>> -> memref<512x64xf32, #tpu.memory_space<hbm>>
    %dma_wait3A_242 = arith.constant 0 : i32
    %dma_wait3A_243 = tpu.memref_slice %arg9[%multiple_of3A, %dma_wait3A_238, %dma_wait3A_242] : memref<16384x20x64xf32, #tpu.memory_space<hbm>> -> memref<512x1x64xf32, #tpu.memory_space<hbm>>
    %dma_wait3A_244 = tpu.memref_squeeze %dma_wait3A_243 : memref<512x1x64xf32, #tpu.memory_space<hbm>> -> memref<512x64xf32, #tpu.memory_space<hbm>>
    tpu.wait_dma2 semaphore(%arg20 : memref<!tpu.dma_semaphore, #tpu.memory_space<semaphore_mem>>) src(%arg13 : memref<512x64xf32, #tpu.memory_space<vmem>>) dst(%dma_wait3A_244 : memref<512x64xf32, #tpu.memory_space<hbm>>)
    %dma_start3A_245 = arith.constant 8 : i32
    %dma_start3A_246 = arith.constant 0 : i32
    %dma_start3A_247 = tpu.memref_slice %arg10[%dma_start3A_245, %dma_start3A_246] : memref<22x512xi32, #tpu.memory_space<vmem>> -> memref<1x512xi32, #tpu.memory_space<vmem>>
    %dma_start3A_248 = tpu.memref_squeeze %dma_start3A_247 : memref<1x512xi32, #tpu.memory_space<vmem>> -> memref<512xi32, #tpu.memory_space<vmem>>
    %dma_start3A_249 = arith.constant 0 : i32
    %dma_start3A_250 = arith.constant 0 : i32
    %dma_start3A_251 = tpu.memref_slice %arg6[%dma_start3A_249, %dma_start3A_250] : memref<1000000x64xf32, #tpu.memory_space<hbm>> -> memref<1000000x64xf32, #tpu.memory_space<hbm>>
    tpu.enqueue_indirect_dma source(%dma_start3A_251 : memref<1000000x64xf32, #tpu.memory_space<hbm>>) target(%arg13 : memref<512x64xf32, #tpu.memory_space<vmem>>) offsets(%dma_start3A_248 : memref<512xi32, #tpu.memory_space<vmem>>) semaphore(%arg17 : memref<!tpu.dma_semaphore, #tpu.memory_space<semaphore_mem>>)
    %dma_wait3A_252 = arith.constant 7 : i32
    %dma_wait3A_253 = arith.constant 0 : i32
    %dma_wait3A_254 = tpu.memref_slice %arg10[%dma_wait3A_252, %dma_wait3A_253] : memref<22x512xi32, #tpu.memory_space<vmem>> -> memref<1x512xi32, #tpu.memory_space<vmem>>
    %dma_wait3A_255 = tpu.memref_squeeze %dma_wait3A_254 : memref<1x512xi32, #tpu.memory_space<vmem>> -> memref<512xi32, #tpu.memory_space<vmem>>
    %dma_wait3A_256 = arith.constant 0 : i32
    %dma_wait3A_257 = arith.constant 0 : i32
    %dma_wait3A_258 = tpu.memref_slice %arg6[%dma_wait3A_256, %dma_wait3A_257] : memref<1000000x64xf32, #tpu.memory_space<hbm>> -> memref<1000000x64xf32, #tpu.memory_space<hbm>>
    tpu.wait_indirect_dma semaphore(%arg16 : memref<!tpu.dma_semaphore, #tpu.memory_space<semaphore_mem>>) src(%dma_wait3A_258 : memref<1000000x64xf32, #tpu.memory_space<hbm>>) dst(%arg12 : memref<512x64xf32, #tpu.memory_space<vmem>>)
    %dma_start3A_259 = arith.constant 5 : i32
    %dma_start3A_260 = arith.constant 0 : i32
    %dma_start3A_261 = tpu.memref_slice %arg9[%multiple_of3A, %dma_start3A_259, %dma_start3A_260] : memref<16384x20x64xf32, #tpu.memory_space<hbm>> -> memref<512x1x64xf32, #tpu.memory_space<hbm>>
    %dma_start3A_262 = tpu.memref_squeeze %dma_start3A_261 : memref<512x1x64xf32, #tpu.memory_space<hbm>> -> memref<512x64xf32, #tpu.memory_space<hbm>>
    %dma_start3A_263 = arith.constant 0 : i32
    %dma_start3A_264 = tpu.memref_slice %arg9[%multiple_of3A, %dma_start3A_259, %dma_start3A_263] : memref<16384x20x64xf32, #tpu.memory_space<hbm>> -> memref<512x1x64xf32, #tpu.memory_space<hbm>>
    %dma_start3A_265 = tpu.memref_squeeze %dma_start3A_264 : memref<512x1x64xf32, #tpu.memory_space<hbm>> -> memref<512x64xf32, #tpu.memory_space<hbm>>
    tpu.enqueue_dma source(%arg12 : memref<512x64xf32, #tpu.memory_space<vmem>>) target(%dma_start3A_265 : memref<512x64xf32, #tpu.memory_space<hbm>>) target_semaphore(%arg19 : memref<!tpu.dma_semaphore, #tpu.memory_space<semaphore_mem>>)
    %dma_wait3A_266 = arith.constant 4 : i32
    %dma_wait3A_267 = arith.constant 0 : i32
    %dma_wait3A_268 = tpu.memref_slice %arg9[%multiple_of3A, %dma_wait3A_266, %dma_wait3A_267] : memref<16384x20x64xf32, #tpu.memory_space<hbm>> -> memref<512x1x64xf32, #tpu.memory_space<hbm>>
    %dma_wait3A_269 = tpu.memref_squeeze %dma_wait3A_268 : memref<512x1x64xf32, #tpu.memory_space<hbm>> -> memref<512x64xf32, #tpu.memory_space<hbm>>
    %dma_wait3A_270 = arith.constant 0 : i32
    %dma_wait3A_271 = tpu.memref_slice %arg9[%multiple_of3A, %dma_wait3A_266, %dma_wait3A_270] : memref<16384x20x64xf32, #tpu.memory_space<hbm>> -> memref<512x1x64xf32, #tpu.memory_space<hbm>>
    %dma_wait3A_272 = tpu.memref_squeeze %dma_wait3A_271 : memref<512x1x64xf32, #tpu.memory_space<hbm>> -> memref<512x64xf32, #tpu.memory_space<hbm>>
    tpu.wait_dma2 semaphore(%arg18 : memref<!tpu.dma_semaphore, #tpu.memory_space<semaphore_mem>>) src(%arg11 : memref<512x64xf32, #tpu.memory_space<vmem>>) dst(%dma_wait3A_272 : memref<512x64xf32, #tpu.memory_space<hbm>>)
    %dma_start3A_273 = arith.constant 9 : i32
    %dma_start3A_274 = arith.constant 0 : i32
    %dma_start3A_275 = tpu.memref_slice %arg10[%dma_start3A_273, %dma_start3A_274] : memref<22x512xi32, #tpu.memory_space<vmem>> -> memref<1x512xi32, #tpu.memory_space<vmem>>
    %dma_start3A_276 = tpu.memref_squeeze %dma_start3A_275 : memref<1x512xi32, #tpu.memory_space<vmem>> -> memref<512xi32, #tpu.memory_space<vmem>>
    %dma_start3A_277 = arith.constant 0 : i32
    %dma_start3A_278 = arith.constant 0 : i32
    %dma_start3A_279 = tpu.memref_slice %arg6[%dma_start3A_277, %dma_start3A_278] : memref<1000000x64xf32, #tpu.memory_space<hbm>> -> memref<1000000x64xf32, #tpu.memory_space<hbm>>
    tpu.enqueue_indirect_dma source(%dma_start3A_279 : memref<1000000x64xf32, #tpu.memory_space<hbm>>) target(%arg11 : memref<512x64xf32, #tpu.memory_space<vmem>>) offsets(%dma_start3A_276 : memref<512xi32, #tpu.memory_space<vmem>>) semaphore(%arg15 : memref<!tpu.dma_semaphore, #tpu.memory_space<semaphore_mem>>)
    %dma_wait3A_280 = arith.constant 8 : i32
    %dma_wait3A_281 = arith.constant 0 : i32
    %dma_wait3A_282 = tpu.memref_slice %arg10[%dma_wait3A_280, %dma_wait3A_281] : memref<22x512xi32, #tpu.memory_space<vmem>> -> memref<1x512xi32, #tpu.memory_space<vmem>>
    %dma_wait3A_283 = tpu.memref_squeeze %dma_wait3A_282 : memref<1x512xi32, #tpu.memory_space<vmem>> -> memref<512xi32, #tpu.memory_space<vmem>>
    %dma_wait3A_284 = arith.constant 0 : i32
    %dma_wait3A_285 = arith.constant 0 : i32
    %dma_wait3A_286 = tpu.memref_slice %arg6[%dma_wait3A_284, %dma_wait3A_285] : memref<1000000x64xf32, #tpu.memory_space<hbm>> -> memref<1000000x64xf32, #tpu.memory_space<hbm>>
    tpu.wait_indirect_dma semaphore(%arg17 : memref<!tpu.dma_semaphore, #tpu.memory_space<semaphore_mem>>) src(%dma_wait3A_286 : memref<1000000x64xf32, #tpu.memory_space<hbm>>) dst(%arg13 : memref<512x64xf32, #tpu.memory_space<vmem>>)
    %dma_start3A_287 = arith.constant 6 : i32
    %dma_start3A_288 = arith.constant 0 : i32
    %dma_start3A_289 = tpu.memref_slice %arg9[%multiple_of3A, %dma_start3A_287, %dma_start3A_288] : memref<16384x20x64xf32, #tpu.memory_space<hbm>> -> memref<512x1x64xf32, #tpu.memory_space<hbm>>
    %dma_start3A_290 = tpu.memref_squeeze %dma_start3A_289 : memref<512x1x64xf32, #tpu.memory_space<hbm>> -> memref<512x64xf32, #tpu.memory_space<hbm>>
    %dma_start3A_291 = arith.constant 0 : i32
    %dma_start3A_292 = tpu.memref_slice %arg9[%multiple_of3A, %dma_start3A_287, %dma_start3A_291] : memref<16384x20x64xf32, #tpu.memory_space<hbm>> -> memref<512x1x64xf32, #tpu.memory_space<hbm>>
    %dma_start3A_293 = tpu.memref_squeeze %dma_start3A_292 : memref<512x1x64xf32, #tpu.memory_space<hbm>> -> memref<512x64xf32, #tpu.memory_space<hbm>>
    tpu.enqueue_dma source(%arg13 : memref<512x64xf32, #tpu.memory_space<vmem>>) target(%dma_start3A_293 : memref<512x64xf32, #tpu.memory_space<hbm>>) target_semaphore(%arg20 : memref<!tpu.dma_semaphore, #tpu.memory_space<semaphore_mem>>)
    %dma_wait3A_294 = arith.constant 5 : i32
    %dma_wait3A_295 = arith.constant 0 : i32
    %dma_wait3A_296 = tpu.memref_slice %arg9[%multiple_of3A, %dma_wait3A_294, %dma_wait3A_295] : memref<16384x20x64xf32, #tpu.memory_space<hbm>> -> memref<512x1x64xf32, #tpu.memory_space<hbm>>
    %dma_wait3A_297 = tpu.memref_squeeze %dma_wait3A_296 : memref<512x1x64xf32, #tpu.memory_space<hbm>> -> memref<512x64xf32, #tpu.memory_space<hbm>>
    %dma_wait3A_298 = arith.constant 0 : i32
    %dma_wait3A_299 = tpu.memref_slice %arg9[%multiple_of3A, %dma_wait3A_294, %dma_wait3A_298] : memref<16384x20x64xf32, #tpu.memory_space<hbm>> -> memref<512x1x64xf32, #tpu.memory_space<hbm>>
    %dma_wait3A_300 = tpu.memref_squeeze %dma_wait3A_299 : memref<512x1x64xf32, #tpu.memory_space<hbm>> -> memref<512x64xf32, #tpu.memory_space<hbm>>
    tpu.wait_dma2 semaphore(%arg19 : memref<!tpu.dma_semaphore, #tpu.memory_space<semaphore_mem>>) src(%arg12 : memref<512x64xf32, #tpu.memory_space<vmem>>) dst(%dma_wait3A_300 : memref<512x64xf32, #tpu.memory_space<hbm>>)
    %dma_start3A_301 = arith.constant 10 : i32
    %dma_start3A_302 = arith.constant 0 : i32
    %dma_start3A_303 = tpu.memref_slice %arg10[%dma_start3A_301, %dma_start3A_302] : memref<22x512xi32, #tpu.memory_space<vmem>> -> memref<1x512xi32, #tpu.memory_space<vmem>>
    %dma_start3A_304 = tpu.memref_squeeze %dma_start3A_303 : memref<1x512xi32, #tpu.memory_space<vmem>> -> memref<512xi32, #tpu.memory_space<vmem>>
    %dma_start3A_305 = arith.constant 0 : i32
    %dma_start3A_306 = arith.constant 0 : i32
    %dma_start3A_307 = tpu.memref_slice %arg6[%dma_start3A_305, %dma_start3A_306] : memref<1000000x64xf32, #tpu.memory_space<hbm>> -> memref<1000000x64xf32, #tpu.memory_space<hbm>>
    tpu.enqueue_indirect_dma source(%dma_start3A_307 : memref<1000000x64xf32, #tpu.memory_space<hbm>>) target(%arg12 : memref<512x64xf32, #tpu.memory_space<vmem>>) offsets(%dma_start3A_304 : memref<512xi32, #tpu.memory_space<vmem>>) semaphore(%arg16 : memref<!tpu.dma_semaphore, #tpu.memory_space<semaphore_mem>>)
    %dma_wait3A_308 = arith.constant 9 : i32
    %dma_wait3A_309 = arith.constant 0 : i32
    %dma_wait3A_310 = tpu.memref_slice %arg10[%dma_wait3A_308, %dma_wait3A_309] : memref<22x512xi32, #tpu.memory_space<vmem>> -> memref<1x512xi32, #tpu.memory_space<vmem>>
    %dma_wait3A_311 = tpu.memref_squeeze %dma_wait3A_310 : memref<1x512xi32, #tpu.memory_space<vmem>> -> memref<512xi32, #tpu.memory_space<vmem>>
    %dma_wait3A_312 = arith.constant 0 : i32
    %dma_wait3A_313 = arith.constant 0 : i32
    %dma_wait3A_314 = tpu.memref_slice %arg6[%dma_wait3A_312, %dma_wait3A_313] : memref<1000000x64xf32, #tpu.memory_space<hbm>> -> memref<1000000x64xf32, #tpu.memory_space<hbm>>
    tpu.wait_indirect_dma semaphore(%arg15 : memref<!tpu.dma_semaphore, #tpu.memory_space<semaphore_mem>>) src(%dma_wait3A_314 : memref<1000000x64xf32, #tpu.memory_space<hbm>>) dst(%arg11 : memref<512x64xf32, #tpu.memory_space<vmem>>)
    %dma_start3A_315 = arith.constant 7 : i32
    %dma_start3A_316 = arith.constant 0 : i32
    %dma_start3A_317 = tpu.memref_slice %arg9[%multiple_of3A, %dma_start3A_315, %dma_start3A_316] : memref<16384x20x64xf32, #tpu.memory_space<hbm>> -> memref<512x1x64xf32, #tpu.memory_space<hbm>>
    %dma_start3A_318 = tpu.memref_squeeze %dma_start3A_317 : memref<512x1x64xf32, #tpu.memory_space<hbm>> -> memref<512x64xf32, #tpu.memory_space<hbm>>
    %dma_start3A_319 = arith.constant 0 : i32
    %dma_start3A_320 = tpu.memref_slice %arg9[%multiple_of3A, %dma_start3A_315, %dma_start3A_319] : memref<16384x20x64xf32, #tpu.memory_space<hbm>> -> memref<512x1x64xf32, #tpu.memory_space<hbm>>
    %dma_start3A_321 = tpu.memref_squeeze %dma_start3A_320 : memref<512x1x64xf32, #tpu.memory_space<hbm>> -> memref<512x64xf32, #tpu.memory_space<hbm>>
    tpu.enqueue_dma source(%arg11 : memref<512x64xf32, #tpu.memory_space<vmem>>) target(%dma_start3A_321 : memref<512x64xf32, #tpu.memory_space<hbm>>) target_semaphore(%arg18 : memref<!tpu.dma_semaphore, #tpu.memory_space<semaphore_mem>>)
    %dma_wait3A_322 = arith.constant 6 : i32
    %dma_wait3A_323 = arith.constant 0 : i32
    %dma_wait3A_324 = tpu.memref_slice %arg9[%multiple_of3A, %dma_wait3A_322, %dma_wait3A_323] : memref<16384x20x64xf32, #tpu.memory_space<hbm>> -> memref<512x1x64xf32, #tpu.memory_space<hbm>>
    %dma_wait3A_325 = tpu.memref_squeeze %dma_wait3A_324 : memref<512x1x64xf32, #tpu.memory_space<hbm>> -> memref<512x64xf32, #tpu.memory_space<hbm>>
    %dma_wait3A_326 = arith.constant 0 : i32
    %dma_wait3A_327 = tpu.memref_slice %arg9[%multiple_of3A, %dma_wait3A_322, %dma_wait3A_326] : memref<16384x20x64xf32, #tpu.memory_space<hbm>> -> memref<512x1x64xf32, #tpu.memory_space<hbm>>
    %dma_wait3A_328 = tpu.memref_squeeze %dma_wait3A_327 : memref<512x1x64xf32, #tpu.memory_space<hbm>> -> memref<512x64xf32, #tpu.memory_space<hbm>>
    tpu.wait_dma2 semaphore(%arg20 : memref<!tpu.dma_semaphore, #tpu.memory_space<semaphore_mem>>) src(%arg13 : memref<512x64xf32, #tpu.memory_space<vmem>>) dst(%dma_wait3A_328 : memref<512x64xf32, #tpu.memory_space<hbm>>)
    %dma_start3A_329 = arith.constant 11 : i32
    %dma_start3A_330 = arith.constant 0 : i32
    %dma_start3A_331 = tpu.memref_slice %arg10[%dma_start3A_329, %dma_start3A_330] : memref<22x512xi32, #tpu.memory_space<vmem>> -> memref<1x512xi32, #tpu.memory_space<vmem>>
    %dma_start3A_332 = tpu.memref_squeeze %dma_start3A_331 : memref<1x512xi32, #tpu.memory_space<vmem>> -> memref<512xi32, #tpu.memory_space<vmem>>
    %dma_start3A_333 = arith.constant 0 : i32
    %dma_start3A_334 = arith.constant 0 : i32
    %dma_start3A_335 = tpu.memref_slice %arg6[%dma_start3A_333, %dma_start3A_334] : memref<1000000x64xf32, #tpu.memory_space<hbm>> -> memref<1000000x64xf32, #tpu.memory_space<hbm>>
    tpu.enqueue_indirect_dma source(%dma_start3A_335 : memref<1000000x64xf32, #tpu.memory_space<hbm>>) target(%arg13 : memref<512x64xf32, #tpu.memory_space<vmem>>) offsets(%dma_start3A_332 : memref<512xi32, #tpu.memory_space<vmem>>) semaphore(%arg17 : memref<!tpu.dma_semaphore, #tpu.memory_space<semaphore_mem>>)
    %dma_wait3A_336 = arith.constant 10 : i32
    %dma_wait3A_337 = arith.constant 0 : i32
    %dma_wait3A_338 = tpu.memref_slice %arg10[%dma_wait3A_336, %dma_wait3A_337] : memref<22x512xi32, #tpu.memory_space<vmem>> -> memref<1x512xi32, #tpu.memory_space<vmem>>
    %dma_wait3A_339 = tpu.memref_squeeze %dma_wait3A_338 : memref<1x512xi32, #tpu.memory_space<vmem>> -> memref<512xi32, #tpu.memory_space<vmem>>
    %dma_wait3A_340 = arith.constant 0 : i32
    %dma_wait3A_341 = arith.constant 0 : i32
    %dma_wait3A_342 = tpu.memref_slice %arg6[%dma_wait3A_340, %dma_wait3A_341] : memref<1000000x64xf32, #tpu.memory_space<hbm>> -> memref<1000000x64xf32, #tpu.memory_space<hbm>>
    tpu.wait_indirect_dma semaphore(%arg16 : memref<!tpu.dma_semaphore, #tpu.memory_space<semaphore_mem>>) src(%dma_wait3A_342 : memref<1000000x64xf32, #tpu.memory_space<hbm>>) dst(%arg12 : memref<512x64xf32, #tpu.memory_space<vmem>>)
    %dma_start3A_343 = arith.constant 8 : i32
    %dma_start3A_344 = arith.constant 0 : i32
    %dma_start3A_345 = tpu.memref_slice %arg9[%multiple_of3A, %dma_start3A_343, %dma_start3A_344] : memref<16384x20x64xf32, #tpu.memory_space<hbm>> -> memref<512x1x64xf32, #tpu.memory_space<hbm>>
    %dma_start3A_346 = tpu.memref_squeeze %dma_start3A_345 : memref<512x1x64xf32, #tpu.memory_space<hbm>> -> memref<512x64xf32, #tpu.memory_space<hbm>>
    %dma_start3A_347 = arith.constant 0 : i32
    %dma_start3A_348 = tpu.memref_slice %arg9[%multiple_of3A, %dma_start3A_343, %dma_start3A_347] : memref<16384x20x64xf32, #tpu.memory_space<hbm>> -> memref<512x1x64xf32, #tpu.memory_space<hbm>>
    %dma_start3A_349 = tpu.memref_squeeze %dma_start3A_348 : memref<512x1x64xf32, #tpu.memory_space<hbm>> -> memref<512x64xf32, #tpu.memory_space<hbm>>
    tpu.enqueue_dma source(%arg12 : memref<512x64xf32, #tpu.memory_space<vmem>>) target(%dma_start3A_349 : memref<512x64xf32, #tpu.memory_space<hbm>>) target_semaphore(%arg19 : memref<!tpu.dma_semaphore, #tpu.memory_space<semaphore_mem>>)
    %dma_wait3A_350 = arith.constant 7 : i32
    %dma_wait3A_351 = arith.constant 0 : i32
    %dma_wait3A_352 = tpu.memref_slice %arg9[%multiple_of3A, %dma_wait3A_350, %dma_wait3A_351] : memref<16384x20x64xf32, #tpu.memory_space<hbm>> -> memref<512x1x64xf32, #tpu.memory_space<hbm>>
    %dma_wait3A_353 = tpu.memref_squeeze %dma_wait3A_352 : memref<512x1x64xf32, #tpu.memory_space<hbm>> -> memref<512x64xf32, #tpu.memory_space<hbm>>
    %dma_wait3A_354 = arith.constant 0 : i32
    %dma_wait3A_355 = tpu.memref_slice %arg9[%multiple_of3A, %dma_wait3A_350, %dma_wait3A_354] : memref<16384x20x64xf32, #tpu.memory_space<hbm>> -> memref<512x1x64xf32, #tpu.memory_space<hbm>>
    %dma_wait3A_356 = tpu.memref_squeeze %dma_wait3A_355 : memref<512x1x64xf32, #tpu.memory_space<hbm>> -> memref<512x64xf32, #tpu.memory_space<hbm>>
    tpu.wait_dma2 semaphore(%arg18 : memref<!tpu.dma_semaphore, #tpu.memory_space<semaphore_mem>>) src(%arg11 : memref<512x64xf32, #tpu.memory_space<vmem>>) dst(%dma_wait3A_356 : memref<512x64xf32, #tpu.memory_space<hbm>>)
    %dma_start3A_357 = arith.constant 12 : i32
    %dma_start3A_358 = arith.constant 0 : i32
    %dma_start3A_359 = tpu.memref_slice %arg10[%dma_start3A_357, %dma_start3A_358] : memref<22x512xi32, #tpu.memory_space<vmem>> -> memref<1x512xi32, #tpu.memory_space<vmem>>
    %dma_start3A_360 = tpu.memref_squeeze %dma_start3A_359 : memref<1x512xi32, #tpu.memory_space<vmem>> -> memref<512xi32, #tpu.memory_space<vmem>>
    %dma_start3A_361 = arith.constant 0 : i32
    %dma_start3A_362 = arith.constant 0 : i32
    %dma_start3A_363 = tpu.memref_slice %arg6[%dma_start3A_361, %dma_start3A_362] : memref<1000000x64xf32, #tpu.memory_space<hbm>> -> memref<1000000x64xf32, #tpu.memory_space<hbm>>
    tpu.enqueue_indirect_dma source(%dma_start3A_363 : memref<1000000x64xf32, #tpu.memory_space<hbm>>) target(%arg11 : memref<512x64xf32, #tpu.memory_space<vmem>>) offsets(%dma_start3A_360 : memref<512xi32, #tpu.memory_space<vmem>>) semaphore(%arg15 : memref<!tpu.dma_semaphore, #tpu.memory_space<semaphore_mem>>)
    %dma_wait3A_364 = arith.constant 11 : i32
    %dma_wait3A_365 = arith.constant 0 : i32
    %dma_wait3A_366 = tpu.memref_slice %arg10[%dma_wait3A_364, %dma_wait3A_365] : memref<22x512xi32, #tpu.memory_space<vmem>> -> memref<1x512xi32, #tpu.memory_space<vmem>>
    %dma_wait3A_367 = tpu.memref_squeeze %dma_wait3A_366 : memref<1x512xi32, #tpu.memory_space<vmem>> -> memref<512xi32, #tpu.memory_space<vmem>>
    %dma_wait3A_368 = arith.constant 0 : i32
    %dma_wait3A_369 = arith.constant 0 : i32
    %dma_wait3A_370 = tpu.memref_slice %arg6[%dma_wait3A_368, %dma_wait3A_369] : memref<1000000x64xf32, #tpu.memory_space<hbm>> -> memref<1000000x64xf32, #tpu.memory_space<hbm>>
    tpu.wait_indirect_dma semaphore(%arg17 : memref<!tpu.dma_semaphore, #tpu.memory_space<semaphore_mem>>) src(%dma_wait3A_370 : memref<1000000x64xf32, #tpu.memory_space<hbm>>) dst(%arg13 : memref<512x64xf32, #tpu.memory_space<vmem>>)
    %dma_start3A_371 = arith.constant 9 : i32
    %dma_start3A_372 = arith.constant 0 : i32
    %dma_start3A_373 = tpu.memref_slice %arg9[%multiple_of3A, %dma_start3A_371, %dma_start3A_372] : memref<16384x20x64xf32, #tpu.memory_space<hbm>> -> memref<512x1x64xf32, #tpu.memory_space<hbm>>
    %dma_start3A_374 = tpu.memref_squeeze %dma_start3A_373 : memref<512x1x64xf32, #tpu.memory_space<hbm>> -> memref<512x64xf32, #tpu.memory_space<hbm>>
    %dma_start3A_375 = arith.constant 0 : i32
    %dma_start3A_376 = tpu.memref_slice %arg9[%multiple_of3A, %dma_start3A_371, %dma_start3A_375] : memref<16384x20x64xf32, #tpu.memory_space<hbm>> -> memref<512x1x64xf32, #tpu.memory_space<hbm>>
    %dma_start3A_377 = tpu.memref_squeeze %dma_start3A_376 : memref<512x1x64xf32, #tpu.memory_space<hbm>> -> memref<512x64xf32, #tpu.memory_space<hbm>>
    tpu.enqueue_dma source(%arg13 : memref<512x64xf32, #tpu.memory_space<vmem>>) target(%dma_start3A_377 : memref<512x64xf32, #tpu.memory_space<hbm>>) target_semaphore(%arg20 : memref<!tpu.dma_semaphore, #tpu.memory_space<semaphore_mem>>)
    %dma_wait3A_378 = arith.constant 8 : i32
    %dma_wait3A_379 = arith.constant 0 : i32
    %dma_wait3A_380 = tpu.memref_slice %arg9[%multiple_of3A, %dma_wait3A_378, %dma_wait3A_379] : memref<16384x20x64xf32, #tpu.memory_space<hbm>> -> memref<512x1x64xf32, #tpu.memory_space<hbm>>
    %dma_wait3A_381 = tpu.memref_squeeze %dma_wait3A_380 : memref<512x1x64xf32, #tpu.memory_space<hbm>> -> memref<512x64xf32, #tpu.memory_space<hbm>>
    %dma_wait3A_382 = arith.constant 0 : i32
    %dma_wait3A_383 = tpu.memref_slice %arg9[%multiple_of3A, %dma_wait3A_378, %dma_wait3A_382] : memref<16384x20x64xf32, #tpu.memory_space<hbm>> -> memref<512x1x64xf32, #tpu.memory_space<hbm>>
    %dma_wait3A_384 = tpu.memref_squeeze %dma_wait3A_383 : memref<512x1x64xf32, #tpu.memory_space<hbm>> -> memref<512x64xf32, #tpu.memory_space<hbm>>
    tpu.wait_dma2 semaphore(%arg19 : memref<!tpu.dma_semaphore, #tpu.memory_space<semaphore_mem>>) src(%arg12 : memref<512x64xf32, #tpu.memory_space<vmem>>) dst(%dma_wait3A_384 : memref<512x64xf32, #tpu.memory_space<hbm>>)
    %dma_start3A_385 = arith.constant 13 : i32
    %dma_start3A_386 = arith.constant 0 : i32
    %dma_start3A_387 = tpu.memref_slice %arg10[%dma_start3A_385, %dma_start3A_386] : memref<22x512xi32, #tpu.memory_space<vmem>> -> memref<1x512xi32, #tpu.memory_space<vmem>>
    %dma_start3A_388 = tpu.memref_squeeze %dma_start3A_387 : memref<1x512xi32, #tpu.memory_space<vmem>> -> memref<512xi32, #tpu.memory_space<vmem>>
    %dma_start3A_389 = arith.constant 0 : i32
    %dma_start3A_390 = arith.constant 0 : i32
    %dma_start3A_391 = tpu.memref_slice %arg6[%dma_start3A_389, %dma_start3A_390] : memref<1000000x64xf32, #tpu.memory_space<hbm>> -> memref<1000000x64xf32, #tpu.memory_space<hbm>>
    tpu.enqueue_indirect_dma source(%dma_start3A_391 : memref<1000000x64xf32, #tpu.memory_space<hbm>>) target(%arg12 : memref<512x64xf32, #tpu.memory_space<vmem>>) offsets(%dma_start3A_388 : memref<512xi32, #tpu.memory_space<vmem>>) semaphore(%arg16 : memref<!tpu.dma_semaphore, #tpu.memory_space<semaphore_mem>>)
    %dma_wait3A_392 = arith.constant 12 : i32
    %dma_wait3A_393 = arith.constant 0 : i32
    %dma_wait3A_394 = tpu.memref_slice %arg10[%dma_wait3A_392, %dma_wait3A_393] : memref<22x512xi32, #tpu.memory_space<vmem>> -> memref<1x512xi32, #tpu.memory_space<vmem>>
    %dma_wait3A_395 = tpu.memref_squeeze %dma_wait3A_394 : memref<1x512xi32, #tpu.memory_space<vmem>> -> memref<512xi32, #tpu.memory_space<vmem>>
    %dma_wait3A_396 = arith.constant 0 : i32
    %dma_wait3A_397 = arith.constant 0 : i32
    %dma_wait3A_398 = tpu.memref_slice %arg6[%dma_wait3A_396, %dma_wait3A_397] : memref<1000000x64xf32, #tpu.memory_space<hbm>> -> memref<1000000x64xf32, #tpu.memory_space<hbm>>
    tpu.wait_indirect_dma semaphore(%arg15 : memref<!tpu.dma_semaphore, #tpu.memory_space<semaphore_mem>>) src(%dma_wait3A_398 : memref<1000000x64xf32, #tpu.memory_space<hbm>>) dst(%arg11 : memref<512x64xf32, #tpu.memory_space<vmem>>)
    %dma_start3A_399 = arith.constant 10 : i32
    %dma_start3A_400 = arith.constant 0 : i32
    %dma_start3A_401 = tpu.memref_slice %arg9[%multiple_of3A, %dma_start3A_399, %dma_start3A_400] : memref<16384x20x64xf32, #tpu.memory_space<hbm>> -> memref<512x1x64xf32, #tpu.memory_space<hbm>>
    %dma_start3A_402 = tpu.memref_squeeze %dma_start3A_401 : memref<512x1x64xf32, #tpu.memory_space<hbm>> -> memref<512x64xf32, #tpu.memory_space<hbm>>
    %dma_start3A_403 = arith.constant 0 : i32
    %dma_start3A_404 = tpu.memref_slice %arg9[%multiple_of3A, %dma_start3A_399, %dma_start3A_403] : memref<16384x20x64xf32, #tpu.memory_space<hbm>> -> memref<512x1x64xf32, #tpu.memory_space<hbm>>
    %dma_start3A_405 = tpu.memref_squeeze %dma_start3A_404 : memref<512x1x64xf32, #tpu.memory_space<hbm>> -> memref<512x64xf32, #tpu.memory_space<hbm>>
    tpu.enqueue_dma source(%arg11 : memref<512x64xf32, #tpu.memory_space<vmem>>) target(%dma_start3A_405 : memref<512x64xf32, #tpu.memory_space<hbm>>) target_semaphore(%arg18 : memref<!tpu.dma_semaphore, #tpu.memory_space<semaphore_mem>>)
    %dma_wait3A_406 = arith.constant 9 : i32
    %dma_wait3A_407 = arith.constant 0 : i32
    %dma_wait3A_408 = tpu.memref_slice %arg9[%multiple_of3A, %dma_wait3A_406, %dma_wait3A_407] : memref<16384x20x64xf32, #tpu.memory_space<hbm>> -> memref<512x1x64xf32, #tpu.memory_space<hbm>>
    %dma_wait3A_409 = tpu.memref_squeeze %dma_wait3A_408 : memref<512x1x64xf32, #tpu.memory_space<hbm>> -> memref<512x64xf32, #tpu.memory_space<hbm>>
    %dma_wait3A_410 = arith.constant 0 : i32
    %dma_wait3A_411 = tpu.memref_slice %arg9[%multiple_of3A, %dma_wait3A_406, %dma_wait3A_410] : memref<16384x20x64xf32, #tpu.memory_space<hbm>> -> memref<512x1x64xf32, #tpu.memory_space<hbm>>
    %dma_wait3A_412 = tpu.memref_squeeze %dma_wait3A_411 : memref<512x1x64xf32, #tpu.memory_space<hbm>> -> memref<512x64xf32, #tpu.memory_space<hbm>>
    tpu.wait_dma2 semaphore(%arg20 : memref<!tpu.dma_semaphore, #tpu.memory_space<semaphore_mem>>) src(%arg13 : memref<512x64xf32, #tpu.memory_space<vmem>>) dst(%dma_wait3A_412 : memref<512x64xf32, #tpu.memory_space<hbm>>)
    %dma_start3A_413 = arith.constant 14 : i32
    %dma_start3A_414 = arith.constant 0 : i32
    %dma_start3A_415 = tpu.memref_slice %arg10[%dma_start3A_413, %dma_start3A_414] : memref<22x512xi32, #tpu.memory_space<vmem>> -> memref<1x512xi32, #tpu.memory_space<vmem>>
    %dma_start3A_416 = tpu.memref_squeeze %dma_start3A_415 : memref<1x512xi32, #tpu.memory_space<vmem>> -> memref<512xi32, #tpu.memory_space<vmem>>
    %dma_start3A_417 = arith.constant 0 : i32
    %dma_start3A_418 = arith.constant 0 : i32
    %dma_start3A_419 = tpu.memref_slice %arg6[%dma_start3A_417, %dma_start3A_418] : memref<1000000x64xf32, #tpu.memory_space<hbm>> -> memref<1000000x64xf32, #tpu.memory_space<hbm>>
    tpu.enqueue_indirect_dma source(%dma_start3A_419 : memref<1000000x64xf32, #tpu.memory_space<hbm>>) target(%arg13 : memref<512x64xf32, #tpu.memory_space<vmem>>) offsets(%dma_start3A_416 : memref<512xi32, #tpu.memory_space<vmem>>) semaphore(%arg17 : memref<!tpu.dma_semaphore, #tpu.memory_space<semaphore_mem>>)
    %dma_wait3A_420 = arith.constant 13 : i32
    %dma_wait3A_421 = arith.constant 0 : i32
    %dma_wait3A_422 = tpu.memref_slice %arg10[%dma_wait3A_420, %dma_wait3A_421] : memref<22x512xi32, #tpu.memory_space<vmem>> -> memref<1x512xi32, #tpu.memory_space<vmem>>
    %dma_wait3A_423 = tpu.memref_squeeze %dma_wait3A_422 : memref<1x512xi32, #tpu.memory_space<vmem>> -> memref<512xi32, #tpu.memory_space<vmem>>
    %dma_wait3A_424 = arith.constant 0 : i32
    %dma_wait3A_425 = arith.constant 0 : i32
    %dma_wait3A_426 = tpu.memref_slice %arg6[%dma_wait3A_424, %dma_wait3A_425] : memref<1000000x64xf32, #tpu.memory_space<hbm>> -> memref<1000000x64xf32, #tpu.memory_space<hbm>>
    tpu.wait_indirect_dma semaphore(%arg16 : memref<!tpu.dma_semaphore, #tpu.memory_space<semaphore_mem>>) src(%dma_wait3A_426 : memref<1000000x64xf32, #tpu.memory_space<hbm>>) dst(%arg12 : memref<512x64xf32, #tpu.memory_space<vmem>>)
    %dma_start3A_427 = arith.constant 11 : i32
    %dma_start3A_428 = arith.constant 0 : i32
    %dma_start3A_429 = tpu.memref_slice %arg9[%multiple_of3A, %dma_start3A_427, %dma_start3A_428] : memref<16384x20x64xf32, #tpu.memory_space<hbm>> -> memref<512x1x64xf32, #tpu.memory_space<hbm>>
    %dma_start3A_430 = tpu.memref_squeeze %dma_start3A_429 : memref<512x1x64xf32, #tpu.memory_space<hbm>> -> memref<512x64xf32, #tpu.memory_space<hbm>>
    %dma_start3A_431 = arith.constant 0 : i32
    %dma_start3A_432 = tpu.memref_slice %arg9[%multiple_of3A, %dma_start3A_427, %dma_start3A_431] : memref<16384x20x64xf32, #tpu.memory_space<hbm>> -> memref<512x1x64xf32, #tpu.memory_space<hbm>>
    %dma_start3A_433 = tpu.memref_squeeze %dma_start3A_432 : memref<512x1x64xf32, #tpu.memory_space<hbm>> -> memref<512x64xf32, #tpu.memory_space<hbm>>
    tpu.enqueue_dma source(%arg12 : memref<512x64xf32, #tpu.memory_space<vmem>>) target(%dma_start3A_433 : memref<512x64xf32, #tpu.memory_space<hbm>>) target_semaphore(%arg19 : memref<!tpu.dma_semaphore, #tpu.memory_space<semaphore_mem>>)
    %dma_wait3A_434 = arith.constant 10 : i32
    %dma_wait3A_435 = arith.constant 0 : i32
    %dma_wait3A_436 = tpu.memref_slice %arg9[%multiple_of3A, %dma_wait3A_434, %dma_wait3A_435] : memref<16384x20x64xf32, #tpu.memory_space<hbm>> -> memref<512x1x64xf32, #tpu.memory_space<hbm>>
    %dma_wait3A_437 = tpu.memref_squeeze %dma_wait3A_436 : memref<512x1x64xf32, #tpu.memory_space<hbm>> -> memref<512x64xf32, #tpu.memory_space<hbm>>
    %dma_wait3A_438 = arith.constant 0 : i32
    %dma_wait3A_439 = tpu.memref_slice %arg9[%multiple_of3A, %dma_wait3A_434, %dma_wait3A_438] : memref<16384x20x64xf32, #tpu.memory_space<hbm>> -> memref<512x1x64xf32, #tpu.memory_space<hbm>>
    %dma_wait3A_440 = tpu.memref_squeeze %dma_wait3A_439 : memref<512x1x64xf32, #tpu.memory_space<hbm>> -> memref<512x64xf32, #tpu.memory_space<hbm>>
    tpu.wait_dma2 semaphore(%arg18 : memref<!tpu.dma_semaphore, #tpu.memory_space<semaphore_mem>>) src(%arg11 : memref<512x64xf32, #tpu.memory_space<vmem>>) dst(%dma_wait3A_440 : memref<512x64xf32, #tpu.memory_space<hbm>>)
    %dma_start3A_441 = arith.constant 15 : i32
    %dma_start3A_442 = arith.constant 0 : i32
    %dma_start3A_443 = tpu.memref_slice %arg10[%dma_start3A_441, %dma_start3A_442] : memref<22x512xi32, #tpu.memory_space<vmem>> -> memref<1x512xi32, #tpu.memory_space<vmem>>
    %dma_start3A_444 = tpu.memref_squeeze %dma_start3A_443 : memref<1x512xi32, #tpu.memory_space<vmem>> -> memref<512xi32, #tpu.memory_space<vmem>>
    %dma_start3A_445 = arith.constant 0 : i32
    %dma_start3A_446 = arith.constant 0 : i32
    %dma_start3A_447 = tpu.memref_slice %arg6[%dma_start3A_445, %dma_start3A_446] : memref<1000000x64xf32, #tpu.memory_space<hbm>> -> memref<1000000x64xf32, #tpu.memory_space<hbm>>
    tpu.enqueue_indirect_dma source(%dma_start3A_447 : memref<1000000x64xf32, #tpu.memory_space<hbm>>) target(%arg11 : memref<512x64xf32, #tpu.memory_space<vmem>>) offsets(%dma_start3A_444 : memref<512xi32, #tpu.memory_space<vmem>>) semaphore(%arg15 : memref<!tpu.dma_semaphore, #tpu.memory_space<semaphore_mem>>)
    %dma_wait3A_448 = arith.constant 14 : i32
    %dma_wait3A_449 = arith.constant 0 : i32
    %dma_wait3A_450 = tpu.memref_slice %arg10[%dma_wait3A_448, %dma_wait3A_449] : memref<22x512xi32, #tpu.memory_space<vmem>> -> memref<1x512xi32, #tpu.memory_space<vmem>>
    %dma_wait3A_451 = tpu.memref_squeeze %dma_wait3A_450 : memref<1x512xi32, #tpu.memory_space<vmem>> -> memref<512xi32, #tpu.memory_space<vmem>>
    %dma_wait3A_452 = arith.constant 0 : i32
    %dma_wait3A_453 = arith.constant 0 : i32
    %dma_wait3A_454 = tpu.memref_slice %arg6[%dma_wait3A_452, %dma_wait3A_453] : memref<1000000x64xf32, #tpu.memory_space<hbm>> -> memref<1000000x64xf32, #tpu.memory_space<hbm>>
    tpu.wait_indirect_dma semaphore(%arg17 : memref<!tpu.dma_semaphore, #tpu.memory_space<semaphore_mem>>) src(%dma_wait3A_454 : memref<1000000x64xf32, #tpu.memory_space<hbm>>) dst(%arg13 : memref<512x64xf32, #tpu.memory_space<vmem>>)
    %dma_start3A_455 = arith.constant 12 : i32
    %dma_start3A_456 = arith.constant 0 : i32
    %dma_start3A_457 = tpu.memref_slice %arg9[%multiple_of3A, %dma_start3A_455, %dma_start3A_456] : memref<16384x20x64xf32, #tpu.memory_space<hbm>> -> memref<512x1x64xf32, #tpu.memory_space<hbm>>
    %dma_start3A_458 = tpu.memref_squeeze %dma_start3A_457 : memref<512x1x64xf32, #tpu.memory_space<hbm>> -> memref<512x64xf32, #tpu.memory_space<hbm>>
    %dma_start3A_459 = arith.constant 0 : i32
    %dma_start3A_460 = tpu.memref_slice %arg9[%multiple_of3A, %dma_start3A_455, %dma_start3A_459] : memref<16384x20x64xf32, #tpu.memory_space<hbm>> -> memref<512x1x64xf32, #tpu.memory_space<hbm>>
    %dma_start3A_461 = tpu.memref_squeeze %dma_start3A_460 : memref<512x1x64xf32, #tpu.memory_space<hbm>> -> memref<512x64xf32, #tpu.memory_space<hbm>>
    tpu.enqueue_dma source(%arg13 : memref<512x64xf32, #tpu.memory_space<vmem>>) target(%dma_start3A_461 : memref<512x64xf32, #tpu.memory_space<hbm>>) target_semaphore(%arg20 : memref<!tpu.dma_semaphore, #tpu.memory_space<semaphore_mem>>)
    %dma_wait3A_462 = arith.constant 11 : i32
    %dma_wait3A_463 = arith.constant 0 : i32
    %dma_wait3A_464 = tpu.memref_slice %arg9[%multiple_of3A, %dma_wait3A_462, %dma_wait3A_463] : memref<16384x20x64xf32, #tpu.memory_space<hbm>> -> memref<512x1x64xf32, #tpu.memory_space<hbm>>
    %dma_wait3A_465 = tpu.memref_squeeze %dma_wait3A_464 : memref<512x1x64xf32, #tpu.memory_space<hbm>> -> memref<512x64xf32, #tpu.memory_space<hbm>>
    %dma_wait3A_466 = arith.constant 0 : i32
    %dma_wait3A_467 = tpu.memref_slice %arg9[%multiple_of3A, %dma_wait3A_462, %dma_wait3A_466] : memref<16384x20x64xf32, #tpu.memory_space<hbm>> -> memref<512x1x64xf32, #tpu.memory_space<hbm>>
    %dma_wait3A_468 = tpu.memref_squeeze %dma_wait3A_467 : memref<512x1x64xf32, #tpu.memory_space<hbm>> -> memref<512x64xf32, #tpu.memory_space<hbm>>
    tpu.wait_dma2 semaphore(%arg19 : memref<!tpu.dma_semaphore, #tpu.memory_space<semaphore_mem>>) src(%arg12 : memref<512x64xf32, #tpu.memory_space<vmem>>) dst(%dma_wait3A_468 : memref<512x64xf32, #tpu.memory_space<hbm>>)
    %dma_start3A_469 = arith.constant 16 : i32
    %dma_start3A_470 = arith.constant 0 : i32
    %dma_start3A_471 = tpu.memref_slice %arg10[%dma_start3A_469, %dma_start3A_470] : memref<22x512xi32, #tpu.memory_space<vmem>> -> memref<1x512xi32, #tpu.memory_space<vmem>>
    %dma_start3A_472 = tpu.memref_squeeze %dma_start3A_471 : memref<1x512xi32, #tpu.memory_space<vmem>> -> memref<512xi32, #tpu.memory_space<vmem>>
    %dma_start3A_473 = arith.constant 0 : i32
    %dma_start3A_474 = arith.constant 0 : i32
    %dma_start3A_475 = tpu.memref_slice %arg6[%dma_start3A_473, %dma_start3A_474] : memref<1000000x64xf32, #tpu.memory_space<hbm>> -> memref<1000000x64xf32, #tpu.memory_space<hbm>>
    tpu.enqueue_indirect_dma source(%dma_start3A_475 : memref<1000000x64xf32, #tpu.memory_space<hbm>>) target(%arg12 : memref<512x64xf32, #tpu.memory_space<vmem>>) offsets(%dma_start3A_472 : memref<512xi32, #tpu.memory_space<vmem>>) semaphore(%arg16 : memref<!tpu.dma_semaphore, #tpu.memory_space<semaphore_mem>>)
    %dma_wait3A_476 = arith.constant 15 : i32
    %dma_wait3A_477 = arith.constant 0 : i32
    %dma_wait3A_478 = tpu.memref_slice %arg10[%dma_wait3A_476, %dma_wait3A_477] : memref<22x512xi32, #tpu.memory_space<vmem>> -> memref<1x512xi32, #tpu.memory_space<vmem>>
    %dma_wait3A_479 = tpu.memref_squeeze %dma_wait3A_478 : memref<1x512xi32, #tpu.memory_space<vmem>> -> memref<512xi32, #tpu.memory_space<vmem>>
    %dma_wait3A_480 = arith.constant 0 : i32
    %dma_wait3A_481 = arith.constant 0 : i32
    %dma_wait3A_482 = tpu.memref_slice %arg6[%dma_wait3A_480, %dma_wait3A_481] : memref<1000000x64xf32, #tpu.memory_space<hbm>> -> memref<1000000x64xf32, #tpu.memory_space<hbm>>
    tpu.wait_indirect_dma semaphore(%arg15 : memref<!tpu.dma_semaphore, #tpu.memory_space<semaphore_mem>>) src(%dma_wait3A_482 : memref<1000000x64xf32, #tpu.memory_space<hbm>>) dst(%arg11 : memref<512x64xf32, #tpu.memory_space<vmem>>)
    %dma_start3A_483 = arith.constant 13 : i32
    %dma_start3A_484 = arith.constant 0 : i32
    %dma_start3A_485 = tpu.memref_slice %arg9[%multiple_of3A, %dma_start3A_483, %dma_start3A_484] : memref<16384x20x64xf32, #tpu.memory_space<hbm>> -> memref<512x1x64xf32, #tpu.memory_space<hbm>>
    %dma_start3A_486 = tpu.memref_squeeze %dma_start3A_485 : memref<512x1x64xf32, #tpu.memory_space<hbm>> -> memref<512x64xf32, #tpu.memory_space<hbm>>
    %dma_start3A_487 = arith.constant 0 : i32
    %dma_start3A_488 = tpu.memref_slice %arg9[%multiple_of3A, %dma_start3A_483, %dma_start3A_487] : memref<16384x20x64xf32, #tpu.memory_space<hbm>> -> memref<512x1x64xf32, #tpu.memory_space<hbm>>
    %dma_start3A_489 = tpu.memref_squeeze %dma_start3A_488 : memref<512x1x64xf32, #tpu.memory_space<hbm>> -> memref<512x64xf32, #tpu.memory_space<hbm>>
    tpu.enqueue_dma source(%arg11 : memref<512x64xf32, #tpu.memory_space<vmem>>) target(%dma_start3A_489 : memref<512x64xf32, #tpu.memory_space<hbm>>) target_semaphore(%arg18 : memref<!tpu.dma_semaphore, #tpu.memory_space<semaphore_mem>>)
    %dma_wait3A_490 = arith.constant 12 : i32
    %dma_wait3A_491 = arith.constant 0 : i32
    %dma_wait3A_492 = tpu.memref_slice %arg9[%multiple_of3A, %dma_wait3A_490, %dma_wait3A_491] : memref<16384x20x64xf32, #tpu.memory_space<hbm>> -> memref<512x1x64xf32, #tpu.memory_space<hbm>>
    %dma_wait3A_493 = tpu.memref_squeeze %dma_wait3A_492 : memref<512x1x64xf32, #tpu.memory_space<hbm>> -> memref<512x64xf32, #tpu.memory_space<hbm>>
    %dma_wait3A_494 = arith.constant 0 : i32
    %dma_wait3A_495 = tpu.memref_slice %arg9[%multiple_of3A, %dma_wait3A_490, %dma_wait3A_494] : memref<16384x20x64xf32, #tpu.memory_space<hbm>> -> memref<512x1x64xf32, #tpu.memory_space<hbm>>
    %dma_wait3A_496 = tpu.memref_squeeze %dma_wait3A_495 : memref<512x1x64xf32, #tpu.memory_space<hbm>> -> memref<512x64xf32, #tpu.memory_space<hbm>>
    tpu.wait_dma2 semaphore(%arg20 : memref<!tpu.dma_semaphore, #tpu.memory_space<semaphore_mem>>) src(%arg13 : memref<512x64xf32, #tpu.memory_space<vmem>>) dst(%dma_wait3A_496 : memref<512x64xf32, #tpu.memory_space<hbm>>)
    %dma_start3A_497 = arith.constant 17 : i32
    %dma_start3A_498 = arith.constant 0 : i32
    %dma_start3A_499 = tpu.memref_slice %arg10[%dma_start3A_497, %dma_start3A_498] : memref<22x512xi32, #tpu.memory_space<vmem>> -> memref<1x512xi32, #tpu.memory_space<vmem>>
    %dma_start3A_500 = tpu.memref_squeeze %dma_start3A_499 : memref<1x512xi32, #tpu.memory_space<vmem>> -> memref<512xi32, #tpu.memory_space<vmem>>
    %dma_start3A_501 = arith.constant 0 : i32
    %dma_start3A_502 = arith.constant 0 : i32
    %dma_start3A_503 = tpu.memref_slice %arg6[%dma_start3A_501, %dma_start3A_502] : memref<1000000x64xf32, #tpu.memory_space<hbm>> -> memref<1000000x64xf32, #tpu.memory_space<hbm>>
    tpu.enqueue_indirect_dma source(%dma_start3A_503 : memref<1000000x64xf32, #tpu.memory_space<hbm>>) target(%arg13 : memref<512x64xf32, #tpu.memory_space<vmem>>) offsets(%dma_start3A_500 : memref<512xi32, #tpu.memory_space<vmem>>) semaphore(%arg17 : memref<!tpu.dma_semaphore, #tpu.memory_space<semaphore_mem>>)
    %dma_wait3A_504 = arith.constant 16 : i32
    %dma_wait3A_505 = arith.constant 0 : i32
    %dma_wait3A_506 = tpu.memref_slice %arg10[%dma_wait3A_504, %dma_wait3A_505] : memref<22x512xi32, #tpu.memory_space<vmem>> -> memref<1x512xi32, #tpu.memory_space<vmem>>
    %dma_wait3A_507 = tpu.memref_squeeze %dma_wait3A_506 : memref<1x512xi32, #tpu.memory_space<vmem>> -> memref<512xi32, #tpu.memory_space<vmem>>
    %dma_wait3A_508 = arith.constant 0 : i32
    %dma_wait3A_509 = arith.constant 0 : i32
    %dma_wait3A_510 = tpu.memref_slice %arg6[%dma_wait3A_508, %dma_wait3A_509] : memref<1000000x64xf32, #tpu.memory_space<hbm>> -> memref<1000000x64xf32, #tpu.memory_space<hbm>>
    tpu.wait_indirect_dma semaphore(%arg16 : memref<!tpu.dma_semaphore, #tpu.memory_space<semaphore_mem>>) src(%dma_wait3A_510 : memref<1000000x64xf32, #tpu.memory_space<hbm>>) dst(%arg12 : memref<512x64xf32, #tpu.memory_space<vmem>>)
    %dma_start3A_511 = arith.constant 14 : i32
    %dma_start3A_512 = arith.constant 0 : i32
    %dma_start3A_513 = tpu.memref_slice %arg9[%multiple_of3A, %dma_start3A_511, %dma_start3A_512] : memref<16384x20x64xf32, #tpu.memory_space<hbm>> -> memref<512x1x64xf32, #tpu.memory_space<hbm>>
    %dma_start3A_514 = tpu.memref_squeeze %dma_start3A_513 : memref<512x1x64xf32, #tpu.memory_space<hbm>> -> memref<512x64xf32, #tpu.memory_space<hbm>>
    %dma_start3A_515 = arith.constant 0 : i32
    %dma_start3A_516 = tpu.memref_slice %arg9[%multiple_of3A, %dma_start3A_511, %dma_start3A_515] : memref<16384x20x64xf32, #tpu.memory_space<hbm>> -> memref<512x1x64xf32, #tpu.memory_space<hbm>>
    %dma_start3A_517 = tpu.memref_squeeze %dma_start3A_516 : memref<512x1x64xf32, #tpu.memory_space<hbm>> -> memref<512x64xf32, #tpu.memory_space<hbm>>
    tpu.enqueue_dma source(%arg12 : memref<512x64xf32, #tpu.memory_space<vmem>>) target(%dma_start3A_517 : memref<512x64xf32, #tpu.memory_space<hbm>>) target_semaphore(%arg19 : memref<!tpu.dma_semaphore, #tpu.memory_space<semaphore_mem>>)
    %dma_wait3A_518 = arith.constant 13 : i32
    %dma_wait3A_519 = arith.constant 0 : i32
    %dma_wait3A_520 = tpu.memref_slice %arg9[%multiple_of3A, %dma_wait3A_518, %dma_wait3A_519] : memref<16384x20x64xf32, #tpu.memory_space<hbm>> -> memref<512x1x64xf32, #tpu.memory_space<hbm>>
    %dma_wait3A_521 = tpu.memref_squeeze %dma_wait3A_520 : memref<512x1x64xf32, #tpu.memory_space<hbm>> -> memref<512x64xf32, #tpu.memory_space<hbm>>
    %dma_wait3A_522 = arith.constant 0 : i32
    %dma_wait3A_523 = tpu.memref_slice %arg9[%multiple_of3A, %dma_wait3A_518, %dma_wait3A_522] : memref<16384x20x64xf32, #tpu.memory_space<hbm>> -> memref<512x1x64xf32, #tpu.memory_space<hbm>>
    %dma_wait3A_524 = tpu.memref_squeeze %dma_wait3A_523 : memref<512x1x64xf32, #tpu.memory_space<hbm>> -> memref<512x64xf32, #tpu.memory_space<hbm>>
    tpu.wait_dma2 semaphore(%arg18 : memref<!tpu.dma_semaphore, #tpu.memory_space<semaphore_mem>>) src(%arg11 : memref<512x64xf32, #tpu.memory_space<vmem>>) dst(%dma_wait3A_524 : memref<512x64xf32, #tpu.memory_space<hbm>>)
    %dma_start3A_525 = arith.constant 18 : i32
    %dma_start3A_526 = arith.constant 0 : i32
    %dma_start3A_527 = tpu.memref_slice %arg10[%dma_start3A_525, %dma_start3A_526] : memref<22x512xi32, #tpu.memory_space<vmem>> -> memref<1x512xi32, #tpu.memory_space<vmem>>
    %dma_start3A_528 = tpu.memref_squeeze %dma_start3A_527 : memref<1x512xi32, #tpu.memory_space<vmem>> -> memref<512xi32, #tpu.memory_space<vmem>>
    %dma_start3A_529 = arith.constant 0 : i32
    %dma_start3A_530 = arith.constant 0 : i32
    %dma_start3A_531 = tpu.memref_slice %arg6[%dma_start3A_529, %dma_start3A_530] : memref<1000000x64xf32, #tpu.memory_space<hbm>> -> memref<1000000x64xf32, #tpu.memory_space<hbm>>
    tpu.enqueue_indirect_dma source(%dma_start3A_531 : memref<1000000x64xf32, #tpu.memory_space<hbm>>) target(%arg11 : memref<512x64xf32, #tpu.memory_space<vmem>>) offsets(%dma_start3A_528 : memref<512xi32, #tpu.memory_space<vmem>>) semaphore(%arg15 : memref<!tpu.dma_semaphore, #tpu.memory_space<semaphore_mem>>)
    %dma_wait3A_532 = arith.constant 17 : i32
    %dma_wait3A_533 = arith.constant 0 : i32
    %dma_wait3A_534 = tpu.memref_slice %arg10[%dma_wait3A_532, %dma_wait3A_533] : memref<22x512xi32, #tpu.memory_space<vmem>> -> memref<1x512xi32, #tpu.memory_space<vmem>>
    %dma_wait3A_535 = tpu.memref_squeeze %dma_wait3A_534 : memref<1x512xi32, #tpu.memory_space<vmem>> -> memref<512xi32, #tpu.memory_space<vmem>>
    %dma_wait3A_536 = arith.constant 0 : i32
    %dma_wait3A_537 = arith.constant 0 : i32
    %dma_wait3A_538 = tpu.memref_slice %arg6[%dma_wait3A_536, %dma_wait3A_537] : memref<1000000x64xf32, #tpu.memory_space<hbm>> -> memref<1000000x64xf32, #tpu.memory_space<hbm>>
    tpu.wait_indirect_dma semaphore(%arg17 : memref<!tpu.dma_semaphore, #tpu.memory_space<semaphore_mem>>) src(%dma_wait3A_538 : memref<1000000x64xf32, #tpu.memory_space<hbm>>) dst(%arg13 : memref<512x64xf32, #tpu.memory_space<vmem>>)
    %dma_start3A_539 = arith.constant 15 : i32
    %dma_start3A_540 = arith.constant 0 : i32
    %dma_start3A_541 = tpu.memref_slice %arg9[%multiple_of3A, %dma_start3A_539, %dma_start3A_540] : memref<16384x20x64xf32, #tpu.memory_space<hbm>> -> memref<512x1x64xf32, #tpu.memory_space<hbm>>
    %dma_start3A_542 = tpu.memref_squeeze %dma_start3A_541 : memref<512x1x64xf32, #tpu.memory_space<hbm>> -> memref<512x64xf32, #tpu.memory_space<hbm>>
    %dma_start3A_543 = arith.constant 0 : i32
    %dma_start3A_544 = tpu.memref_slice %arg9[%multiple_of3A, %dma_start3A_539, %dma_start3A_543] : memref<16384x20x64xf32, #tpu.memory_space<hbm>> -> memref<512x1x64xf32, #tpu.memory_space<hbm>>
    %dma_start3A_545 = tpu.memref_squeeze %dma_start3A_544 : memref<512x1x64xf32, #tpu.memory_space<hbm>> -> memref<512x64xf32, #tpu.memory_space<hbm>>
    tpu.enqueue_dma source(%arg13 : memref<512x64xf32, #tpu.memory_space<vmem>>) target(%dma_start3A_545 : memref<512x64xf32, #tpu.memory_space<hbm>>) target_semaphore(%arg20 : memref<!tpu.dma_semaphore, #tpu.memory_space<semaphore_mem>>)
    %dma_wait3A_546 = arith.constant 14 : i32
    %dma_wait3A_547 = arith.constant 0 : i32
    %dma_wait3A_548 = tpu.memref_slice %arg9[%multiple_of3A, %dma_wait3A_546, %dma_wait3A_547] : memref<16384x20x64xf32, #tpu.memory_space<hbm>> -> memref<512x1x64xf32, #tpu.memory_space<hbm>>
    %dma_wait3A_549 = tpu.memref_squeeze %dma_wait3A_548 : memref<512x1x64xf32, #tpu.memory_space<hbm>> -> memref<512x64xf32, #tpu.memory_space<hbm>>
    %dma_wait3A_550 = arith.constant 0 : i32
    %dma_wait3A_551 = tpu.memref_slice %arg9[%multiple_of3A, %dma_wait3A_546, %dma_wait3A_550] : memref<16384x20x64xf32, #tpu.memory_space<hbm>> -> memref<512x1x64xf32, #tpu.memory_space<hbm>>
    %dma_wait3A_552 = tpu.memref_squeeze %dma_wait3A_551 : memref<512x1x64xf32, #tpu.memory_space<hbm>> -> memref<512x64xf32, #tpu.memory_space<hbm>>
    tpu.wait_dma2 semaphore(%arg19 : memref<!tpu.dma_semaphore, #tpu.memory_space<semaphore_mem>>) src(%arg12 : memref<512x64xf32, #tpu.memory_space<vmem>>) dst(%dma_wait3A_552 : memref<512x64xf32, #tpu.memory_space<hbm>>)
    %dma_start3A_553 = arith.constant 19 : i32
    %dma_start3A_554 = arith.constant 0 : i32
    %dma_start3A_555 = tpu.memref_slice %arg10[%dma_start3A_553, %dma_start3A_554] : memref<22x512xi32, #tpu.memory_space<vmem>> -> memref<1x512xi32, #tpu.memory_space<vmem>>
    %dma_start3A_556 = tpu.memref_squeeze %dma_start3A_555 : memref<1x512xi32, #tpu.memory_space<vmem>> -> memref<512xi32, #tpu.memory_space<vmem>>
    %dma_start3A_557 = arith.constant 0 : i32
    %dma_start3A_558 = arith.constant 0 : i32
    %dma_start3A_559 = tpu.memref_slice %arg6[%dma_start3A_557, %dma_start3A_558] : memref<1000000x64xf32, #tpu.memory_space<hbm>> -> memref<1000000x64xf32, #tpu.memory_space<hbm>>
    tpu.enqueue_indirect_dma source(%dma_start3A_559 : memref<1000000x64xf32, #tpu.memory_space<hbm>>) target(%arg12 : memref<512x64xf32, #tpu.memory_space<vmem>>) offsets(%dma_start3A_556 : memref<512xi32, #tpu.memory_space<vmem>>) semaphore(%arg16 : memref<!tpu.dma_semaphore, #tpu.memory_space<semaphore_mem>>)
    %dma_wait3A_560 = arith.constant 18 : i32
    %dma_wait3A_561 = arith.constant 0 : i32
    %dma_wait3A_562 = tpu.memref_slice %arg10[%dma_wait3A_560, %dma_wait3A_561] : memref<22x512xi32, #tpu.memory_space<vmem>> -> memref<1x512xi32, #tpu.memory_space<vmem>>
    %dma_wait3A_563 = tpu.memref_squeeze %dma_wait3A_562 : memref<1x512xi32, #tpu.memory_space<vmem>> -> memref<512xi32, #tpu.memory_space<vmem>>
    %dma_wait3A_564 = arith.constant 0 : i32
    %dma_wait3A_565 = arith.constant 0 : i32
    %dma_wait3A_566 = tpu.memref_slice %arg6[%dma_wait3A_564, %dma_wait3A_565] : memref<1000000x64xf32, #tpu.memory_space<hbm>> -> memref<1000000x64xf32, #tpu.memory_space<hbm>>
    tpu.wait_indirect_dma semaphore(%arg15 : memref<!tpu.dma_semaphore, #tpu.memory_space<semaphore_mem>>) src(%dma_wait3A_566 : memref<1000000x64xf32, #tpu.memory_space<hbm>>) dst(%arg11 : memref<512x64xf32, #tpu.memory_space<vmem>>)
    %dma_start3A_567 = arith.constant 16 : i32
    %dma_start3A_568 = arith.constant 0 : i32
    %dma_start3A_569 = tpu.memref_slice %arg9[%multiple_of3A, %dma_start3A_567, %dma_start3A_568] : memref<16384x20x64xf32, #tpu.memory_space<hbm>> -> memref<512x1x64xf32, #tpu.memory_space<hbm>>
    %dma_start3A_570 = tpu.memref_squeeze %dma_start3A_569 : memref<512x1x64xf32, #tpu.memory_space<hbm>> -> memref<512x64xf32, #tpu.memory_space<hbm>>
    %dma_start3A_571 = arith.constant 0 : i32
    %dma_start3A_572 = tpu.memref_slice %arg9[%multiple_of3A, %dma_start3A_567, %dma_start3A_571] : memref<16384x20x64xf32, #tpu.memory_space<hbm>> -> memref<512x1x64xf32, #tpu.memory_space<hbm>>
    %dma_start3A_573 = tpu.memref_squeeze %dma_start3A_572 : memref<512x1x64xf32, #tpu.memory_space<hbm>> -> memref<512x64xf32, #tpu.memory_space<hbm>>
    tpu.enqueue_dma source(%arg11 : memref<512x64xf32, #tpu.memory_space<vmem>>) target(%dma_start3A_573 : memref<512x64xf32, #tpu.memory_space<hbm>>) target_semaphore(%arg18 : memref<!tpu.dma_semaphore, #tpu.memory_space<semaphore_mem>>)
    %dma_wait3A_574 = arith.constant 15 : i32
    %dma_wait3A_575 = arith.constant 0 : i32
    %dma_wait3A_576 = tpu.memref_slice %arg9[%multiple_of3A, %dma_wait3A_574, %dma_wait3A_575] : memref<16384x20x64xf32, #tpu.memory_space<hbm>> -> memref<512x1x64xf32, #tpu.memory_space<hbm>>
    %dma_wait3A_577 = tpu.memref_squeeze %dma_wait3A_576 : memref<512x1x64xf32, #tpu.memory_space<hbm>> -> memref<512x64xf32, #tpu.memory_space<hbm>>
    %dma_wait3A_578 = arith.constant 0 : i32
    %dma_wait3A_579 = tpu.memref_slice %arg9[%multiple_of3A, %dma_wait3A_574, %dma_wait3A_578] : memref<16384x20x64xf32, #tpu.memory_space<hbm>> -> memref<512x1x64xf32, #tpu.memory_space<hbm>>
    %dma_wait3A_580 = tpu.memref_squeeze %dma_wait3A_579 : memref<512x1x64xf32, #tpu.memory_space<hbm>> -> memref<512x64xf32, #tpu.memory_space<hbm>>
    tpu.wait_dma2 semaphore(%arg20 : memref<!tpu.dma_semaphore, #tpu.memory_space<semaphore_mem>>) src(%arg13 : memref<512x64xf32, #tpu.memory_space<vmem>>) dst(%dma_wait3A_580 : memref<512x64xf32, #tpu.memory_space<hbm>>)
    %dma_start3A_581 = arith.constant 20 : i32
    %dma_start3A_582 = arith.constant 0 : i32
    %dma_start3A_583 = tpu.memref_slice %arg10[%dma_start3A_581, %dma_start3A_582] : memref<22x512xi32, #tpu.memory_space<vmem>> -> memref<1x512xi32, #tpu.memory_space<vmem>>
    %dma_start3A_584 = tpu.memref_squeeze %dma_start3A_583 : memref<1x512xi32, #tpu.memory_space<vmem>> -> memref<512xi32, #tpu.memory_space<vmem>>
    %dma_start3A_585 = arith.constant 0 : i32
    %dma_start3A_586 = arith.constant 0 : i32
    %dma_start3A_587 = tpu.memref_slice %arg6[%dma_start3A_585, %dma_start3A_586] : memref<1000000x64xf32, #tpu.memory_space<hbm>> -> memref<1000000x64xf32, #tpu.memory_space<hbm>>
    tpu.enqueue_indirect_dma source(%dma_start3A_587 : memref<1000000x64xf32, #tpu.memory_space<hbm>>) target(%arg13 : memref<512x64xf32, #tpu.memory_space<vmem>>) offsets(%dma_start3A_584 : memref<512xi32, #tpu.memory_space<vmem>>) semaphore(%arg17 : memref<!tpu.dma_semaphore, #tpu.memory_space<semaphore_mem>>)
    %dma_wait3A_588 = arith.constant 19 : i32
    %dma_wait3A_589 = arith.constant 0 : i32
    %dma_wait3A_590 = tpu.memref_slice %arg10[%dma_wait3A_588, %dma_wait3A_589] : memref<22x512xi32, #tpu.memory_space<vmem>> -> memref<1x512xi32, #tpu.memory_space<vmem>>
    %dma_wait3A_591 = tpu.memref_squeeze %dma_wait3A_590 : memref<1x512xi32, #tpu.memory_space<vmem>> -> memref<512xi32, #tpu.memory_space<vmem>>
    %dma_wait3A_592 = arith.constant 0 : i32
    %dma_wait3A_593 = arith.constant 0 : i32
    %dma_wait3A_594 = tpu.memref_slice %arg6[%dma_wait3A_592, %dma_wait3A_593] : memref<1000000x64xf32, #tpu.memory_space<hbm>> -> memref<1000000x64xf32, #tpu.memory_space<hbm>>
    tpu.wait_indirect_dma semaphore(%arg16 : memref<!tpu.dma_semaphore, #tpu.memory_space<semaphore_mem>>) src(%dma_wait3A_594 : memref<1000000x64xf32, #tpu.memory_space<hbm>>) dst(%arg12 : memref<512x64xf32, #tpu.memory_space<vmem>>)
    %dma_start3A_595 = arith.constant 17 : i32
    %dma_start3A_596 = arith.constant 0 : i32
    %dma_start3A_597 = tpu.memref_slice %arg9[%multiple_of3A, %dma_start3A_595, %dma_start3A_596] : memref<16384x20x64xf32, #tpu.memory_space<hbm>> -> memref<512x1x64xf32, #tpu.memory_space<hbm>>
    %dma_start3A_598 = tpu.memref_squeeze %dma_start3A_597 : memref<512x1x64xf32, #tpu.memory_space<hbm>> -> memref<512x64xf32, #tpu.memory_space<hbm>>
    %dma_start3A_599 = arith.constant 0 : i32
    %dma_start3A_600 = tpu.memref_slice %arg9[%multiple_of3A, %dma_start3A_595, %dma_start3A_599] : memref<16384x20x64xf32, #tpu.memory_space<hbm>> -> memref<512x1x64xf32, #tpu.memory_space<hbm>>
    %dma_start3A_601 = tpu.memref_squeeze %dma_start3A_600 : memref<512x1x64xf32, #tpu.memory_space<hbm>> -> memref<512x64xf32, #tpu.memory_space<hbm>>
    tpu.enqueue_dma source(%arg12 : memref<512x64xf32, #tpu.memory_space<vmem>>) target(%dma_start3A_601 : memref<512x64xf32, #tpu.memory_space<hbm>>) target_semaphore(%arg19 : memref<!tpu.dma_semaphore, #tpu.memory_space<semaphore_mem>>)
    %dma_wait3A_602 = arith.constant 16 : i32
    %dma_wait3A_603 = arith.constant 0 : i32
    %dma_wait3A_604 = tpu.memref_slice %arg9[%multiple_of3A, %dma_wait3A_602, %dma_wait3A_603] : memref<16384x20x64xf32, #tpu.memory_space<hbm>> -> memref<512x1x64xf32, #tpu.memory_space<hbm>>
    %dma_wait3A_605 = tpu.memref_squeeze %dma_wait3A_604 : memref<512x1x64xf32, #tpu.memory_space<hbm>> -> memref<512x64xf32, #tpu.memory_space<hbm>>
    %dma_wait3A_606 = arith.constant 0 : i32
    %dma_wait3A_607 = tpu.memref_slice %arg9[%multiple_of3A, %dma_wait3A_602, %dma_wait3A_606] : memref<16384x20x64xf32, #tpu.memory_space<hbm>> -> memref<512x1x64xf32, #tpu.memory_space<hbm>>
    %dma_wait3A_608 = tpu.memref_squeeze %dma_wait3A_607 : memref<512x1x64xf32, #tpu.memory_space<hbm>> -> memref<512x64xf32, #tpu.memory_space<hbm>>
    tpu.wait_dma2 semaphore(%arg18 : memref<!tpu.dma_semaphore, #tpu.memory_space<semaphore_mem>>) src(%arg11 : memref<512x64xf32, #tpu.memory_space<vmem>>) dst(%dma_wait3A_608 : memref<512x64xf32, #tpu.memory_space<hbm>>)
    %dma_start3A_609 = arith.constant 21 : i32
    %dma_start3A_610 = arith.constant 0 : i32
    %dma_start3A_611 = tpu.memref_slice %arg10[%dma_start3A_609, %dma_start3A_610] : memref<22x512xi32, #tpu.memory_space<vmem>> -> memref<1x512xi32, #tpu.memory_space<vmem>>
    %dma_start3A_612 = tpu.memref_squeeze %dma_start3A_611 : memref<1x512xi32, #tpu.memory_space<vmem>> -> memref<512xi32, #tpu.memory_space<vmem>>
    %dma_start3A_613 = arith.constant 0 : i32
    %dma_start3A_614 = arith.constant 0 : i32
    %dma_start3A_615 = tpu.memref_slice %arg6[%dma_start3A_613, %dma_start3A_614] : memref<1000000x64xf32, #tpu.memory_space<hbm>> -> memref<1000000x64xf32, #tpu.memory_space<hbm>>
    tpu.enqueue_indirect_dma source(%dma_start3A_615 : memref<1000000x64xf32, #tpu.memory_space<hbm>>) target(%arg11 : memref<512x64xf32, #tpu.memory_space<vmem>>) offsets(%dma_start3A_612 : memref<512xi32, #tpu.memory_space<vmem>>) semaphore(%arg15 : memref<!tpu.dma_semaphore, #tpu.memory_space<semaphore_mem>>)
    %dma_wait3A_616 = arith.constant 20 : i32
    %dma_wait3A_617 = arith.constant 0 : i32
    %dma_wait3A_618 = tpu.memref_slice %arg10[%dma_wait3A_616, %dma_wait3A_617] : memref<22x512xi32, #tpu.memory_space<vmem>> -> memref<1x512xi32, #tpu.memory_space<vmem>>
    %dma_wait3A_619 = tpu.memref_squeeze %dma_wait3A_618 : memref<1x512xi32, #tpu.memory_space<vmem>> -> memref<512xi32, #tpu.memory_space<vmem>>
    %dma_wait3A_620 = arith.constant 0 : i32
    %dma_wait3A_621 = arith.constant 0 : i32
    %dma_wait3A_622 = tpu.memref_slice %arg6[%dma_wait3A_620, %dma_wait3A_621] : memref<1000000x64xf32, #tpu.memory_space<hbm>> -> memref<1000000x64xf32, #tpu.memory_space<hbm>>
    tpu.wait_indirect_dma semaphore(%arg17 : memref<!tpu.dma_semaphore, #tpu.memory_space<semaphore_mem>>) src(%dma_wait3A_622 : memref<1000000x64xf32, #tpu.memory_space<hbm>>) dst(%arg13 : memref<512x64xf32, #tpu.memory_space<vmem>>)
    %dma_start3A_623 = arith.constant 18 : i32
    %dma_start3A_624 = arith.constant 0 : i32
    %dma_start3A_625 = tpu.memref_slice %arg9[%multiple_of3A, %dma_start3A_623, %dma_start3A_624] : memref<16384x20x64xf32, #tpu.memory_space<hbm>> -> memref<512x1x64xf32, #tpu.memory_space<hbm>>
    %dma_start3A_626 = tpu.memref_squeeze %dma_start3A_625 : memref<512x1x64xf32, #tpu.memory_space<hbm>> -> memref<512x64xf32, #tpu.memory_space<hbm>>
    %dma_start3A_627 = arith.constant 0 : i32
    %dma_start3A_628 = tpu.memref_slice %arg9[%multiple_of3A, %dma_start3A_623, %dma_start3A_627] : memref<16384x20x64xf32, #tpu.memory_space<hbm>> -> memref<512x1x64xf32, #tpu.memory_space<hbm>>
    %dma_start3A_629 = tpu.memref_squeeze %dma_start3A_628 : memref<512x1x64xf32, #tpu.memory_space<hbm>> -> memref<512x64xf32, #tpu.memory_space<hbm>>
    tpu.enqueue_dma source(%arg13 : memref<512x64xf32, #tpu.memory_space<vmem>>) target(%dma_start3A_629 : memref<512x64xf32, #tpu.memory_space<hbm>>) target_semaphore(%arg20 : memref<!tpu.dma_semaphore, #tpu.memory_space<semaphore_mem>>)
    %dma_wait3A_630 = arith.constant 21 : i32
    %dma_wait3A_631 = arith.constant 0 : i32
    %dma_wait3A_632 = tpu.memref_slice %arg10[%dma_wait3A_630, %dma_wait3A_631] : memref<22x512xi32, #tpu.memory_space<vmem>> -> memref<1x512xi32, #tpu.memory_space<vmem>>
    %dma_wait3A_633 = tpu.memref_squeeze %dma_wait3A_632 : memref<1x512xi32, #tpu.memory_space<vmem>> -> memref<512xi32, #tpu.memory_space<vmem>>
    %dma_wait3A_634 = arith.constant 0 : i32
    %dma_wait3A_635 = arith.constant 0 : i32
    %dma_wait3A_636 = tpu.memref_slice %arg6[%dma_wait3A_634, %dma_wait3A_635] : memref<1000000x64xf32, #tpu.memory_space<hbm>> -> memref<1000000x64xf32, #tpu.memory_space<hbm>>
    tpu.wait_indirect_dma semaphore(%arg15 : memref<!tpu.dma_semaphore, #tpu.memory_space<semaphore_mem>>) src(%dma_wait3A_636 : memref<1000000x64xf32, #tpu.memory_space<hbm>>) dst(%arg11 : memref<512x64xf32, #tpu.memory_space<vmem>>)
    %dma_start3A_637 = arith.constant 19 : i32
    %dma_start3A_638 = arith.constant 0 : i32
    %dma_start3A_639 = tpu.memref_slice %arg9[%multiple_of3A, %dma_start3A_637, %dma_start3A_638] : memref<16384x20x64xf32, #tpu.memory_space<hbm>> -> memref<512x1x64xf32, #tpu.memory_space<hbm>>
    %dma_start3A_640 = tpu.memref_squeeze %dma_start3A_639 : memref<512x1x64xf32, #tpu.memory_space<hbm>> -> memref<512x64xf32, #tpu.memory_space<hbm>>
    %dma_start3A_641 = arith.constant 0 : i32
    %dma_start3A_642 = tpu.memref_slice %arg9[%multiple_of3A, %dma_start3A_637, %dma_start3A_641] : memref<16384x20x64xf32, #tpu.memory_space<hbm>> -> memref<512x1x64xf32, #tpu.memory_space<hbm>>
    %dma_start3A_643 = tpu.memref_squeeze %dma_start3A_642 : memref<512x1x64xf32, #tpu.memory_space<hbm>> -> memref<512x64xf32, #tpu.memory_space<hbm>>
    tpu.enqueue_dma source(%arg11 : memref<512x64xf32, #tpu.memory_space<vmem>>) target(%dma_start3A_643 : memref<512x64xf32, #tpu.memory_space<hbm>>) target_semaphore(%arg18 : memref<!tpu.dma_semaphore, #tpu.memory_space<semaphore_mem>>)
    %dma_wait3A_644 = arith.constant 17 : i32
    %dma_wait3A_645 = arith.constant 0 : i32
    %dma_wait3A_646 = tpu.memref_slice %arg9[%multiple_of3A, %dma_wait3A_644, %dma_wait3A_645] : memref<16384x20x64xf32, #tpu.memory_space<hbm>> -> memref<512x1x64xf32, #tpu.memory_space<hbm>>
    %dma_wait3A_647 = tpu.memref_squeeze %dma_wait3A_646 : memref<512x1x64xf32, #tpu.memory_space<hbm>> -> memref<512x64xf32, #tpu.memory_space<hbm>>
    %dma_wait3A_648 = arith.constant 0 : i32
    %dma_wait3A_649 = tpu.memref_slice %arg9[%multiple_of3A, %dma_wait3A_644, %dma_wait3A_648] : memref<16384x20x64xf32, #tpu.memory_space<hbm>> -> memref<512x1x64xf32, #tpu.memory_space<hbm>>
    %dma_wait3A_650 = tpu.memref_squeeze %dma_wait3A_649 : memref<512x1x64xf32, #tpu.memory_space<hbm>> -> memref<512x64xf32, #tpu.memory_space<hbm>>
    tpu.wait_dma2 semaphore(%arg19 : memref<!tpu.dma_semaphore, #tpu.memory_space<semaphore_mem>>) src(%arg12 : memref<512x64xf32, #tpu.memory_space<vmem>>) dst(%dma_wait3A_650 : memref<512x64xf32, #tpu.memory_space<hbm>>)
    %dma_wait3A_651 = arith.constant 18 : i32
    %dma_wait3A_652 = arith.constant 0 : i32
    %dma_wait3A_653 = tpu.memref_slice %arg9[%multiple_of3A, %dma_wait3A_651, %dma_wait3A_652] : memref<16384x20x64xf32, #tpu.memory_space<hbm>> -> memref<512x1x64xf32, #tpu.memory_space<hbm>>
    %dma_wait3A_654 = tpu.memref_squeeze %dma_wait3A_653 : memref<512x1x64xf32, #tpu.memory_space<hbm>> -> memref<512x64xf32, #tpu.memory_space<hbm>>
    %dma_wait3A_655 = arith.constant 0 : i32
    %dma_wait3A_656 = tpu.memref_slice %arg9[%multiple_of3A, %dma_wait3A_651, %dma_wait3A_655] : memref<16384x20x64xf32, #tpu.memory_space<hbm>> -> memref<512x1x64xf32, #tpu.memory_space<hbm>>
    %dma_wait3A_657 = tpu.memref_squeeze %dma_wait3A_656 : memref<512x1x64xf32, #tpu.memory_space<hbm>> -> memref<512x64xf32, #tpu.memory_space<hbm>>
    tpu.wait_dma2 semaphore(%arg20 : memref<!tpu.dma_semaphore, #tpu.memory_space<semaphore_mem>>) src(%arg13 : memref<512x64xf32, #tpu.memory_space<vmem>>) dst(%dma_wait3A_657 : memref<512x64xf32, #tpu.memory_space<hbm>>)
    %dma_wait3A_658 = arith.constant 19 : i32
    %dma_wait3A_659 = arith.constant 0 : i32
    %dma_wait3A_660 = tpu.memref_slice %arg9[%multiple_of3A, %dma_wait3A_658, %dma_wait3A_659] : memref<16384x20x64xf32, #tpu.memory_space<hbm>> -> memref<512x1x64xf32, #tpu.memory_space<hbm>>
    %dma_wait3A_661 = tpu.memref_squeeze %dma_wait3A_660 : memref<512x1x64xf32, #tpu.memory_space<hbm>> -> memref<512x64xf32, #tpu.memory_space<hbm>>
    %dma_wait3A_662 = arith.constant 0 : i32
    %dma_wait3A_663 = tpu.memref_slice %arg9[%multiple_of3A, %dma_wait3A_658, %dma_wait3A_662] : memref<16384x20x64xf32, #tpu.memory_space<hbm>> -> memref<512x1x64xf32, #tpu.memory_space<hbm>>
    %dma_wait3A_664 = tpu.memref_squeeze %dma_wait3A_663 : memref<512x1x64xf32, #tpu.memory_space<hbm>> -> memref<512x64xf32, #tpu.memory_space<hbm>>
    tpu.wait_dma2 semaphore(%arg18 : memref<!tpu.dma_semaphore, #tpu.memory_space<semaphore_mem>>) src(%arg11 : memref<512x64xf32, #tpu.memory_space<vmem>>) dst(%dma_wait3A_664 : memref<512x64xf32, #tpu.memory_space<hbm>>)
    return
  }
}

</mosaic_0001>

<sc_bundles>
// kernel: kernel.3.cloned.1.call-start
scs
__scs_entry_jumppad:
0x0: {  	(pc) =	sbr.rel $0x88, $3  }
0x1: {  	(tag) =	ssettag $0x0;
	lr =	simm.s32 $0x1  }
0x2: {  	[smem:$0x3F9C] =	sst lr;
	_ =	strace $0xD0000000  }
0x3: {  	_ = 	snop  }
0x4: {  	_ = 	snop  }
0x5: {  	_ = 	snop  }
0x6: {  	_ = 	snop  }
0x7: {  	_ = 	snop  }
__scs_overlays_trampoline_lowered:
0x8: {  	[smem:$0x3FAB] =	sst s0  }
0x9: {  	[smem:$0x3FAC] =	sst s1  }
0xa: {  	[smem:$0x3FAD] =	sst s2  }
0xb: {  	[smem:$0x3FAE] =	sst s3  }
0xc: {  	[smem:$0x3FAF] =	sst s4  }
0xd: {  	[smem:$0x3FB0] =	sst s5  }
0xe: {  	[smem:$0x3FB1] =	sst s6  }
0xf: {  	[smem:$0x3FB2] =	sst s7  }
0x10: {  	[smem:$0x3FB3] =	sst s8  }
0x11: {  	[smem:$0x3FB4] =	sst s9;
	s0 =	simm.s32 @!p0 $0x0  }
0x12: {  	s1 =	sld [smem:$0x3F9A];
	s0 =	simm.s32 @p0 $0x1  }
0x13: {  	[smem:$0x3FB5] =	sst s0;
	s0 =	simm.s32 @!p1 $0x0  }
0x14: {  	s2 =	sld [smem:$0x3F99];
	s0 =	simm.s32 @p1 $0x1  }
0x15: {  	[smem:$0x3FB6] =	sst s0;
	s0 =	simm.s32 @!p2 $0x0  }
0x16: {  	s3 =	sld [smem:$0x3FDB];
	s0 =	simm.s32 @p2 $0x1  }
0x17: {  	s4 =	simm.s32 $0x1BF5;
	[smem:$0x3FB8] =	sst s0  }
0x18: {  	s0 =	sld [smem:$0x3F9B];
	_ =	swait.ge [sflag:s4], $0x0  }
0x19: {  	s7 =	sld [smem:$0x3F9C]  }
0x1a: {  	s8 =	sadd.s32 $0xFFFFE003, lr  }
0x1b: {  	s9 =	sadd.s32 $0xFFFFFEF7, lr;
	s5 =	simm.s32 $0xFFFFFFFF;
	p2 =	slt.u32 s8, $0xFFFFF086  }
0x1c: {  	p1 =	slt.u32 s9, $0xF7A;
	s5 =	simm.s32 @!p2 $0x0  }
0x1d: {  	s5 =	simm.s32 @p1 $0x1;
	p0 =	seq.s32 s7, s2  }
0x1e: {  	s7 =	smul.u32 @!p0 $0xF7A, s2;
	p2 =	seq.s32 @!p0 s5, $0x0  }
0x1f: {  	s9 =	smul.u32 $0xF7A, s1;
	s8 =	simm.s32 @!p0 $0x1BF5;
	p2 =	por !p2, p0  }
0x20: {  	[sflag:s8] =	ssyncset.s32 @!p0 $0xFFFFF086;
	s6 =	sadd.s32 @!p0 s3, s7;
	s7 =	simm.s32 @!p0 $0x108  }
0x21: {  	s3 =	sadd.s32 s3, s9;
	s6 =	sadd.s32 @!p0 $0x88, s6;
	s7 =	simm.s32 @p2 $0x1082  }
0x22: {  	[simem:s7], [sflag:s8] =	dma.local @!p0 [hbm:s6], $0xF7A  }
0x23: {  	s9 =	sor.u32 $0xD0000000, s2;
	s6 =	simm.s32 $0x108;
	_ =	swait.ge @!p0 [sflag:s8], $0x0  }
0x24: {  	s3 =	sadd.s32 $0x88, s3;
	s6 =	simm.s32 @!p1 $0x1082;
	[sflag:s4] =	ssyncset.s32 $0xFFFFF086  }
0x25: {  	[simem:s6], [sflag:s4] =	dma.local [hbm:s3], $0xF7A  }
0x26: {  	[smem:$0x3F9C] =	sst s1;
	(tag) =	ssettag s2;
	_ =	strace s9  }
0x27: {  	s1 =	sld [smem:$0x3FAC]  }
0x28: {  	s2 =	sld [smem:$0x3FAD]  }
0x29: {  	s4 =	sld [smem:$0x3FAF]  }
0x2a: {  	p0 =	seq.s32 s5, $0x0;
	s5 =	sld [smem:$0x3FB0]  }
0x2b: {  	s6 =	sld [smem:$0x3FB1]  }
0x2c: {  	s7 =	sld [smem:$0x3FB2]  }
0x2d: {  	s3 =	simm.s32 $0x108;
	s8 =	sld [smem:$0x3FB3]  }
0x2e: {  	s3 =	simm.s32 @!p0 $0x1082;
	s9 =	sld [smem:$0x3FB4]  }
0x2f: {  	lr =	sadd.s32 s0, s3;
	s0 =	sld [smem:$0x3FAB]  }
0x30: {  	s3 =	sld [smem:$0x3FAE]  }
0x31: {  	[smem:$0x3FB7] =	sst s10  }
0x32: {  	s10 =	sld [smem:$0x3FB5];
	_ =	sdelay $0x3  }
0x33: {  	p0 =	seq.s32 s10, $0x1;
	s10 =	sld [smem:$0x3FB7];
	_ =	sdelay $0x3  }
0x34: {  	[smem:$0x3FB7] =	sst s10  }
0x35: {  	s10 =	sld [smem:$0x3FB6];
	_ =	sdelay $0x3  }
0x36: {  	p1 =	seq.s32 s10, $0x1;
	s10 =	sld [smem:$0x3FB7];
	_ =	sdelay $0x3  }
0x37: {  	[smem:$0x3FB7] =	sst s10  }
0x38: {  	s10 =	sld [smem:$0x3FB8]  }
0x39: {  	_ = 	snop;
	(pc) =	sbr.ind lr, $3  }
0x3a: {  	_ = 	snop  }
0x3b: {  	_ = 	snop  }
0x3c: {  	p2 =	seq.s32 s10, $0x1;
	s10 =	sld [smem:$0x3FB7]  }
0x3d: {  	_ =	shalt  }
0x3e: {  	_ =	shalt  }
0x3f: {  	_ =	shalt  }
0x40: {  	_ =	shalt  }
0x41: {  	_ =	shalt  }
0x42: {  	_ =	shalt  }
0x43: {  	_ =	shalt  }
0x44: {  	_ =	shalt  }
0x45: {  	_ =	shalt  }
0x46: {  	_ =	shalt  }
0x47: {  	_ =	shalt  }
0x48: {  	_ =	shalt  }
0x49: {  	_ =	shalt  }
0x4a: {  	_ =	shalt  }
0x4b: {  	_ =	shalt  }
0x4c: {  	_ =	shalt  }
0x4d: {  	_ =	shalt  }
0x4e: {  	_ =	shalt  }
0x4f: {  	_ =	shalt  }
0x50: {  	_ =	shalt  }
0x51: {  	_ =	shalt  }
0x52: {  	_ =	shalt  }
0x53: {  	_ =	shalt  }
0x54: {  	_ =	shalt  }
0x55: {  	_ =	shalt  }
0x56: {  	_ =	shalt  }
0x57: {  	_ =	shalt  }
0x58: {  	_ =	shalt  }
0x59: {  	_ =	shalt  }
0x5a: {  	_ =	shalt  }
0x5b: {  	_ =	shalt  }
0x5c: {  	_ =	shalt  }
0x5d: {  	_ =	shalt  }
0x5e: {  	_ =	shalt  }
0x5f: {  	_ =	shalt  }
0x60: {  	_ =	shalt  }
0x61: {  	_ =	shalt  }
0x62: {  	_ =	shalt  }
0x63: {  	_ =	shalt  }
0x64: {  	_ =	shalt  }
0x65: {  	_ =	shalt  }
0x66: {  	_ =	shalt  }
0x67: {  	_ =	shalt  }
0x68: {  	_ =	shalt  }
0x69: {  	_ =	shalt  }
0x6a: {  	_ =	shalt  }
0x6b: {  	_ =	shalt  }
0x6c: {  	_ =	shalt  }
0x6d: {  	_ =	shalt  }
0x6e: {  	_ =	shalt  }
0x6f: {  	_ =	shalt  }
0x70: {  	_ =	shalt  }
0x71: {  	_ =	shalt  }
0x72: {  	_ =	shalt  }
0x73: {  	_ =	shalt  }
0x74: {  	_ =	shalt  }
0x75: {  	_ =	shalt  }
0x76: {  	_ =	shalt  }
0x77: {  	_ =	shalt  }
0x78: {  	_ =	shalt  }
0x79: {  	_ =	shalt  }
0x7a: {  	_ =	shalt  }
0x7b: {  	_ =	shalt  }
0x7c: {  	_ =	shalt  }
0x7d: {  	_ =	shalt  }
0x7e: {  	_ =	shalt  }
0x7f: {  	_ =	shalt  }
0x80: {  	_ =	shalt  }
0x81: {  	_ =	shalt  }
0x82: {  	_ =	shalt  }
0x83: {  	_ =	shalt  }
0x84: {  	_ =	shalt  }
0x85: {  	_ =	shalt  }
0x86: {  	_ =	shalt  }
0x87: {  	_ =	shalt  }
.Lfunc_end0:
.L_simem_size_0:
called_computation.1_lowered:
.L_overlay_start_0:
0x88: {  	s2 =	sld [smem:$0x3FD9]  }
0x89: {  	s3 =	sld [smem:$0x3FFE];
	_ =	sdelay $0x1  }
0x8a: {  	s1 =	srdreg.scid  }
0x8b: {  	s0 =	sand.u32 $0x1, s1  }
0x8c: {  	s14 =	sshll.u32 s0, $0xA;
	s2 =	sadd.s32 s3, s2  }
0x8d: {  	s2 =	sadd.s32 s2, s14  }
0x8e: {  	[smem:$0x3FC3] =	sst s2  }
0x8f: {  	_ = 	snop  }
0x90: {  	s2 =	sld [smem:$0x3FD0];
	_ =	sdelay $0x1  }
0x91: {  	s15 =	sld [smem:$0x3FC9]  }
0x92: {  	s5 =	simm.s32 $0xA;
	s6 =	simm.s32 $0x10;
	s4 =	sld [smem:$0x3FC8]  }
0x93: {  	[smem:s6], [sflag:s5] =	dma.local [hbm:s2], $0x1  }
0x94: {  	_ =	swait.eq [sflag:s5], $0x1  }
0x95: {  	s16 =	sld [smem:$0x10];
	[sflag:s5] =	ssyncset.done $0x0  }
0x96: {  	s17 =	sld [smem:$0x11];
	[sflag:s5] =	ssyncadd.s32 $0xFFFFFFFF  }
0x97: {  	s18 =	sld [smem:$0x12];
	(tm) =	ssettm $0x1  }
0x98: {  	s7 =	sld [smem:$0x3FFB];
	_ =	sdelay $0x3  }
0x99: {  	_ =	strace s7  }
0x9a: {  	s7 =	sld [smem:$0x3FFC];
	_ =	sdelay $0x3  }
0x9b: {  	_ =	strace s7  }
0x9c: {  	s7 =	sld [smem:$0x3FFD];
	_ =	sdelay $0x3  }
0x9d: {  	_ =	strace s7  }
0x9e: {  	_ =	strace $0x8FFFFFFF  }
0x9f: {  	s19 =	sld [smem:$0x3FDB];
	_ =	sdelay $0x1  }
0xa0: {  	s8 =	simm.s32 $_scs_section_size  }
0xa1: {  	s9 =	simm.s32 $_size__tile_overlayer_lowered;
	s10 =	simm.s32 $_tile_overlayer_lowered  }
0xa2: {  	s22 =	simm.s32 $0x1BFF;
	s21 =	sshll.u32 s10, $0x1;
	s7 =	sadd.s32 s8, s19  }
0xa3: {  	s11 =	simm.s32 $0x0;
	s20 =	sshll.u32 s9, $0x1;
	s9 =	sadd.s32 s21, s7  }
0xa4: {  	[timem:s11], [sflag:s22] =	dma.local [hbm:s9], s20  }
0xa5: {  	_ =	swait.ge [sflag:s22], s20  }
0xa6: {  	s8 =	ssub.s32 $0x0, s20;
	[sflag:s22] =	ssyncset.done $0x0  }
0xa7: {  	[sflag:s22] =	ssyncadd.s32 s8;
	_ =	sdelay $0x1  }
0xa8: {  	s23 =	simm.s32 $0x1B8B  }
0xa9: {  	_ =	swait.ge [sflag:s23], $0x1  }
0xaa: {  	[sflag:s23] =	ssyncset.done $0x0  }
0xab: {  	s25 =	simm.s32 $0x1B8E;
	s24 =	sld [smem:$0x3FFE];
	[sflag:s23] =	ssyncadd.s32 $0xFFFFFFFF  }
0xac: {  	s26 =	simm.s32 $execute0_lowered;
	[smem:$0x3FD2] =	sst s25  }
0xad: {  	s9 =	sshll.u32 s26, $0x1;
	_ =	strace $0x80000046;
	[dreg:$0x1] =	wrdreg $0xFFFFFFFF  }
0xae: {  	s28 =	simm.s32 $_size_execute0_lowered;
	s7 =	sadd.s32 s7, s9;
	[dreg:$0x0] =	wrdreg $0x0  }
0xaf: {  	s9 =	sshll.u32 s28, $0x1;
	[dreg:$0x2] =	wrdreg s7  }
0xb0: {  	[dreg:$0x3] =	wrdreg s9  }
0xb1: {  	[dreg:$0x4] =	wrdreg $0xC0  }
0xb2: {  	_ =	task [dreg:s11], $0x5FFFF  }
0xb3: {  	[dreg:$0x1] =	wrdreg $0xFFFFFFFF  }
0xb4: {  	[dreg:$0x0] =	wrdreg $0x60  }
0xb5: {  	[dreg:$0x2] =	wrdreg s15  }
0xb6: {  	[dreg:$0x3] =	wrdreg s4  }
0xb7: {  	[dreg:$0x4] =	wrdreg s16  }
0xb8: {  	[dreg:$0x5] =	wrdreg s24  }
0xb9: {  	[dreg:$0x6] =	wrdreg s17  }
0xba: {  	[dreg:$0x7] =	wrdreg s18  }
0xbb: {  	[dreg:$0x8] =	wrdreg $0x9  }
0xbc: {  	_ =	task.clear_ibuf [dreg:s11], $0x9FFFF;
	_ =	strace $0x90000046  }
0xbd: {  	s29 =	simm.s32 $0x9;
	_ =	strace $0x80000048  }
0xbe: {  	_ =	swait.ge [sflag:s29], $0x1  }
0xbf: {  	[sflag:s29] =	ssyncadd.s32 $0xFFFFFFFF  }
0xc0: {  	_ =	strace $0x90000048  }
0xc1: {  	_ =	sfence  }
0xc2: {  	s30 =	sld [smem:$0x0];
	_ =	sdelay $0x2  }
0xc3: {  	s31 =	sshll.u32 s1, $0xD;
	s1 =	sshrl.u32 s1, $0x2  }
0xc4: {  	s3 =	sand.u32 $0x4000, s31;
	s1 =	sadd.s32 s1, s30  }
0xc5: {  	s0 =	sor.u32 s3, s0;
	s1 =	sshll.u32 s1, $0x11  }
0xc6: {  	s0 =	sor.u32 s1, s0  }
0xc7: {  	s0 =	sadd.s32 $0x8F2B, s0  }
0xc8: {  	[sflag:s0] =	ssyncadd.remote.s32 $0x1  }
0xc9: {  	_ =	sfence.sel $0xFFFF  }
0xca: {  	[dreg:$0x0] =	wrdreg $0xFFFFFFFF;
	(pc) =	sbr.abs _section_cstart, $3  }
0xcb: {  	[dreg:$0x1] =	wrdreg $0xFFFFFFFF  }
0xcc: {  	_ =	task.clear_ibuf [dreg:s11], $0x2FFFF;
	_ =	strace $0x9FFFFFFF  }
0xcd: {  	(tm) =	ssettm $0x7FFFFFFF  }
tec
execute0_lowered:
.L_overlay_start_1:
0x0: {  	(tag) =	ssettag $0x1  }
0x1: {  	s0 =	rddreg [dreg:$0x0]  }
0x2: {  	s1 =	rddreg [dreg:$0x1]  }
0x3: {  	s2 =	rddreg [dreg:$0x2]  }
0x4: {  	s3 =	rddreg [dreg:$0x3];
	s6 =	srdreg.scid  }
0x5: {  	s4 =	rddreg [dreg:$0x4];
	s7 =	stileid.u32;
	s6 =	sand.u32 $0x1, s6  }
0x6: {  	s5 =	rddreg [dreg:$0x5];
	s7 =	sshll.u32 s7, $0xA;
	s8 =	sshll.u32 s6, $0x9  }
0x7: {  	s16 =	rddreg [dreg:$0x6];
	s24 =	simm.s32 $0x0;
	s7 =	sor.u32 s8, s7  }
0x8: {  	[smem:$0x7FF] =	sst s24;
	s25 =	sadd.s32 $0x16E4800, s3;
	s9 =	sshrl.u32 s7, $0x3  }
0x9: {  	_ =	strace $0x80000047;
	[dreg:$0x7] =	wrdreg s25;
	s0 =	sadd.s32 s0, s9  }
0xa: {  	s26 =	sshll.u32 s7, $0x3;
	s1 =	sadd.s32 s1, s9;
	[dreg:$0x8] =	wrdreg s0  }
0xb: {  	s11 =	smul.u32 $0xA0, s7;
	s10 =	sadd.s32 s2, s9;
	[dreg:$0x9] =	wrdreg s1  }
0xc: {  	s12 =	sadd.s32 s26, s3;
	s13 =	sadd.s32 s4, s26;
	[dreg:$0xa] =	wrdreg s10  }
0xd: {  	[dreg:$0xb] =	wrdreg s13;
	s14 =	sadd.s32 $0x1200, s12;
	s26 =	sadd.s32 s5, s11  }
0xe: {  	[dreg:$0xc] =	wrdreg s14;
	s15 =	sadd.s32 $0x8, s26  }
0xf: {  	s17 =	sadd.s32 $0x10, s26;
	[dreg:$0xd] =	wrdreg s15  }
0x10: {  	s18 =	sadd.s32 $0x18, s26;
	[dreg:$0xe] =	wrdreg s17  }
0x11: {  	s19 =	sadd.s32 $0x20, s26;
	[dreg:$0xf] =	wrdreg s18  }
0x12: {  	s20 =	sadd.s32 $0x28, s26;
	[dreg:$0x10] =	wrdreg s19  }
0x13: {  	s21 =	sadd.s32 $0x30, s26;
	[dreg:$0x11] =	wrdreg s20  }
0x14: {  	s22 =	sadd.s32 $0x38, s26;
	[dreg:$0x12] =	wrdreg s21  }
0x15: {  	s23 =	sadd.s32 $0x40, s26;
	[dreg:$0x13] =	wrdreg s22  }
0x16: {  	s25 =	sadd.s32 $0x48, s26;
	[dreg:$0x14] =	wrdreg s23  }
0x17: {  	s30 =	simm.s32 $0x400;
	s1 =	sadd.s32 $0x50, s26;
	[dreg:$0x15] =	wrdreg s25  }
0x18: {  	s31 =	simm.s32 $0x1;
	s2 =	sadd.s32 $0x58, s26;
	[dreg:$0x16] =	wrdreg s1  }
0x19: {  	s29 =	simm.s32 $0x1600;
	s4 =	sadd.s32 $0x60, s26;
	[dreg:$0x17] =	wrdreg s2  }
0x1a: {  	s28 =	simm.s32 $0x1800;
	s5 =	sadd.s32 $0x68, s26;
	[dreg:$0x18] =	wrdreg s4  }
0x1b: {  	p0 =	por $0x0, $0x0;
	s7 =	sadd.s32 $0x70, s26;
	[dreg:$0x19] =	wrdreg s5  }
0x1c: {  	s10 =	ssub.s32 $0x2, s6;
	s8 =	sadd.s32 $0x78, s26;
	[dreg:$0x1a] =	wrdreg s7  }
0x1d: {  	s6 =	simm.s32 $0x200;
	s9 =	sadd.s32 $0x80, s26;
	[dreg:$0x1b] =	wrdreg s8  }
0x1e: {  	s11 =	sadd.s32 $0x88, s26;
	s12 =	sshrl.u32 s10, $0x1;
	[dreg:$0x1c] =	wrdreg s9  }
0x1f: {  	s13 =	sadd.s32 $0x90, s26;
	s14 =	sadd.s32 $0x98, s26;
	[dreg:$0x1d] =	wrdreg s11  }
0x20: {  	s2 =	sadd.s32 $0xF43600, s3;
	s1 =	ssub.s32 s10, s12;
	[dreg:$0x1e] =	wrdreg s13  }
0x21: {  	[dreg:$0x1f] =	wrdreg s14;
	s17 =	simm.s32 $0x4000;
	s4 =	simm.s32 $0x2C00  }
0x22: {  	s9 =	simm.s32 $0xAC00;
	s5 =	simm.s32 $0x2;
	s7 =	simm.s32 $0x12C00  }
0x23: {  	s18 =	simm.s32 $0x600;
	s14 =	simm.s32 $0x3;
	s19 =	simm.s32 $0x800  }
0x24: {  	s3 =	simm.s32 $0x5;
	s20 =	simm.s32 $0xA00;
	[smem:$0x7F6] =	sst s17  }
0x25: {  	s10 =	simm.s32 $0x4;
	s21 =	simm.s32 $0xC00;
	[smem:$0x7F7] =	sst s18  }
0x26: {  	s8 =	simm.s32 $0x40;
	s22 =	simm.s32 $0xE00;
	[smem:$0x7F8] =	sst s19  }
0x27: {  	s11 =	simm.s32 $0x500;
	s23 =	simm.s32 $0x1000;
	[smem:$0x7F9] =	sst s20  }
0x28: {  	s12 =	simm.s32 $0x6;
	s15 =	smax.u32 s1, $0x1;
	[smem:$0x7FA] =	sst s21  }
0x29: {  	s25 =	simm.s32 $0x1200;
	[smem:$0x7FB] =	sst s22;
	p1 =	sne.s32 s15, $0x1  }
.Ltmp0:
0x2a: {  	s13 =	simm.s32 $0x7;
	[smem:$0x7FC] =	sst s23;
	(pc) =	sbr.rel @!p1 .LBB2_1-.Ltmp0, $4  }
0x2b: {  	[smem:$0x7FD] =	sst s25;
	s25 =	simm.s32 $0x1A00;
	s23 =	simm.s32 $0x1C00  }
0x2c: {  	s22 =	simm.s32 $0x1E00;
	s21 =	simm.s32 $0x2000;
	s20 =	simm.s32 $0x2200  }
0x2d: {  	s19 =	simm.s32 $0x2400;
	s18 =	simm.s32 $0x2600;
	s17 =	simm.s32 $0x2800  }
0x2e: {  	s1 =	rddreg [dreg:$0x8];
	s0 =	sadd.s32 $0xFFFFFFFF, s15;
	s15 =	simm.s32 $0x2A00  }
0x2f: {  	s16 =	sld [smem:$0x7F6];
	_ =	sdelay $0x1  }
0x30: {  	[tilespmem:s24], [sflag:$0x1] =	stream.linear.gather [hbm4b:s1+s24], $0x200, $0x38;
	[tilespmem:$0x1AC00] =	vst v63  }
0x31: {  	[smem:$0x7F5] =	sst s16  }
0x32: {  	s16 =	smov.u32 s0;
	s0 =	rddreg [dreg:$0x9]  }
0x33: {  	[tilespmem:s6], [sflag:$0x1] =	stream.linear.gather [hbm4b:s0+s24], $0x200, $0x38;
	[tilespmem:$0x1AC00] =	vst v63  }
0x34: {  	s0 =	sld [smem:$0x7F5];
	_ =	sdelay $0x1  }
0x35: {  	s1 =	rddreg [dreg:$0xa]  }
0x36: {  	[tilespmem:s30], [sflag:$0x1] =	stream.strided.gather [hbm4b:s1+s6], $0x2800, s0, s6, $0x38;
	[tilespmem:$0x1AC00] =	vst v63  }
0x37: {  	_ =	swait.ge [sflag:s31], $0x200  }
0x38: {  	[sflag:s31] =	ssyncset.done $0x0  }
0x39: {  	[sflag:s31] =	ssyncadd.s32 $0xFFFFFE00  }
0x3a: {  	_ =	swait.ge [sflag:s31], $0x200  }
0x3b: {  	[sflag:s31] =	ssyncset.done $0x0  }
0x3c: {  	[sflag:s31] =	ssyncadd.s32 $0xFFFFFE00  }
0x3d: {  	_ =	swait.ge [sflag:s31], $0x2800  }
0x3e: {  	[sflag:s31] =	ssyncset.done $0x0  }
0x3f: {  	s1 =	rddreg [dreg:$0x7];
	[sflag:s31] =	ssyncadd.s32 $0xFFFFD800  }
0x40: {  	[tilespmem:s4], [sflag:$0x2] =	stream.indirect.gather [hbm4b:s1+s6], $0x40, s24, s6, $0xb8;
	[tilespmem:$0x1AC00] =	vst v63  }
0x41: {  	_ = 	snop  }
0x42: {  	[tilespmem:s9], [sflag:$0x3] =	stream.indirect.gather [hbm4b:s2+s6], $0x40, s6, s6, $0xb8;
	[tilespmem:$0x1AC00] =	vst v63  }
0x43: {  	_ =	swait.ge [sflag:s5], $0x8000  }
0x44: {  	[sflag:s5] =	ssyncset.done $0x0  }
0x45: {  	s1 =	rddreg [dreg:$0xb];
	[sflag:s5] =	ssyncadd.s32 $0xFFFF8000  }
0x46: {  	[hbm4b:s1+s24] =	stream.linear.scatter [tilespmem:s4], [sflag:$0x5], $0x8000, $0x38;
	[tilespmem:$0x1AC00] =	vst v63  }
0x47: {  	_ = 	snop  }
0x48: {  	[tilespmem:s7], [sflag:$0x4] =	stream.indirect.gather [hbm4b:s2+s6], $0x40, s30, s6, $0xb8;
	[tilespmem:$0x1AC00] =	vst v63  }
0x49: {  	_ =	swait.ge [sflag:s14], $0x8000  }
0x4a: {  	[sflag:s14] =	ssyncset.done $0x0  }
0x4b: {  	s1 =	rddreg [dreg:$0xc];
	[sflag:s14] =	ssyncadd.s32 $0xFFFF8000  }
0x4c: {  	[hbm4b:s1+s24] =	stream.linear.scatter [tilespmem:s9], [sflag:$0x6], $0x8000, $0x38;
	[tilespmem:$0x1AC00] =	vst v63  }
0x4d: {  	_ =	swait.ge [sflag:s3], $0x8000  }
0x4e: {  	s1 =	sld [smem:$0x7F7]  }
0x4f: {  	[sflag:s3] =	ssyncset.done $0x0  }
0x50: {  	[sflag:s3] =	ssyncadd.s32 $0xFFFF8000  }
0x51: {  	[tilespmem:s4], [sflag:$0x2] =	stream.indirect.gather [hbm4b:s2+s6], $0x40, s1, s6, $0xb8;
	[tilespmem:$0x1AC00] =	vst v63  }
0x52: {  	_ =	swait.ge [sflag:s10], $0x8000  }
0x53: {  	[sflag:s10] =	ssyncset.done $0x0  }
0x54: {  	[sflag:s10] =	ssyncadd.s32 $0xFFFF8000  }
0x55: {  	[hbm4b:s26+s8] =	stream.strided.scatter [tilespmem:s7], [sflag:$0x7], $0x8000, s11, s8, $0x38;
	[tilespmem:$0x1AC00] =	vst v63  }
0x56: {  	_ =	swait.ge [sflag:s12], $0x8000  }
0x57: {  	s1 =	sld [smem:$0x7F8]  }
0x58: {  	[sflag:s12] =	ssyncset.done $0x0  }
0x59: {  	[sflag:s12] =	ssyncadd.s32 $0xFFFF8000  }
0x5a: {  	[tilespmem:s9], [sflag:$0x3] =	stream.indirect.gather [hbm4b:s2+s6], $0x40, s1, s6, $0xb8;
	[tilespmem:$0x1AC00] =	vst v63  }
0x5b: {  	_ =	swait.ge [sflag:s5], $0x8000  }
0x5c: {  	[sflag:s5] =	ssyncset.done $0x0  }
0x5d: {  	s1 =	rddreg [dreg:$0xd];
	[sflag:s5] =	ssyncadd.s32 $0xFFFF8000  }
0x5e: {  	[hbm4b:s1+s8] =	stream.strided.scatter [tilespmem:s4], [sflag:$0x5], $0x8000, s11, s8, $0x38;
	[tilespmem:$0x1AC00] =	vst v63  }
0x5f: {  	_ =	swait.ge [sflag:s13], $0x8000  }
0x60: {  	s1 =	sld [smem:$0x7F9]  }
0x61: {  	[sflag:s13] =	ssyncset.done $0x0  }
0x62: {  	[sflag:s13] =	ssyncadd.s32 $0xFFFF8000  }
0x63: {  	[tilespmem:s7], [sflag:$0x4] =	stream.indirect.gather [hbm4b:s2+s6], $0x40, s1, s6, $0xb8;
	[tilespmem:$0x1AC00] =	vst v63  }
0x64: {  	_ =	swait.ge [sflag:s14], $0x8000  }
0x65: {  	[sflag:s14] =	ssyncset.done $0x0  }
0x66: {  	s1 =	rddreg [dreg:$0xe];
	[sflag:s14] =	ssyncadd.s32 $0xFFFF8000  }
0x67: {  	[hbm4b:s1+s8] =	stream.strided.scatter [tilespmem:s9], [sflag:$0x6], $0x8000, s11, s8, $0x38;
	[tilespmem:$0x1AC00] =	vst v63  }
0x68: {  	_ =	swait.ge [sflag:s3], $0x8000  }
0x69: {  	s1 =	sld [smem:$0x7FA]  }
0x6a: {  	[sflag:s3] =	ssyncset.done $0x0  }
0x6b: {  	[sflag:s3] =	ssyncadd.s32 $0xFFFF8000  }
0x6c: {  	[tilespmem:s4], [sflag:$0x2] =	stream.indirect.gather [hbm4b:s2+s6], $0x40, s1, s6, $0xb8;
	[tilespmem:$0x1AC00] =	vst v63  }
0x6d: {  	_ =	swait.ge [sflag:s10], $0x8000  }
0x6e: {  	[sflag:s10] =	ssyncset.done $0x0  }
0x6f: {  	s1 =	rddreg [dreg:$0xf];
	[sflag:s10] =	ssyncadd.s32 $0xFFFF8000  }
0x70: {  	[hbm4b:s1+s8] =	stream.strided.scatter [tilespmem:s7], [sflag:$0x7], $0x8000, s11, s8, $0x38;
	[tilespmem:$0x1AC00] =	vst v63  }
0x71: {  	_ =	swait.ge [sflag:s12], $0x8000  }
0x72: {  	s1 =	sld [smem:$0x7FB]  }
0x73: {  	[sflag:s12] =	ssyncset.done $0x0  }
0x74: {  	[sflag:s12] =	ssyncadd.s32 $0xFFFF8000  }
0x75: {  	[tilespmem:s9], [sflag:$0x3] =	stream.indirect.gather [hbm4b:s2+s6], $0x40, s1, s6, $0xb8;
	[tilespmem:$0x1AC00] =	vst v63  }
0x76: {  	_ =	swait.ge [sflag:s5], $0x8000  }
0x77: {  	[sflag:s5] =	ssyncset.done $0x0  }
0x78: {  	s1 =	rddreg [dreg:$0x10];
	[sflag:s5] =	ssyncadd.s32 $0xFFFF8000  }
0x79: {  	[hbm4b:s1+s8] =	stream.strided.scatter [tilespmem:s4], [sflag:$0x5], $0x8000, s11, s8, $0x38;
	[tilespmem:$0x1AC00] =	vst v63  }
0x7a: {  	_ =	swait.ge [sflag:s13], $0x8000  }
0x7b: {  	s1 =	sld [smem:$0x7FC]  }
0x7c: {  	[sflag:s13] =	ssyncset.done $0x0  }
0x7d: {  	[sflag:s13] =	ssyncadd.s32 $0xFFFF8000  }
0x7e: {  	[tilespmem:s7], [sflag:$0x4] =	stream.indirect.gather [hbm4b:s2+s6], $0x40, s1, s6, $0xb8;
	[tilespmem:$0x1AC00] =	vst v63  }
0x7f: {  	_ =	swait.ge [sflag:s14], $0x8000  }
0x80: {  	[sflag:s14] =	ssyncset.done $0x0  }
0x81: {  	s1 =	rddreg [dreg:$0x11];
	[sflag:s14] =	ssyncadd.s32 $0xFFFF8000  }
0x82: {  	[hbm4b:s1+s8] =	stream.strided.scatter [tilespmem:s9], [sflag:$0x6], $0x8000, s11, s8, $0x38;
	[tilespmem:$0x1AC00] =	vst v63  }
0x83: {  	_ =	swait.ge [sflag:s3], $0x8000  }
0x84: {  	s1 =	sld [smem:$0x7FD]  }
0x85: {  	[sflag:s3] =	ssyncset.done $0x0  }
0x86: {  	[sflag:s3] =	ssyncadd.s32 $0xFFFF8000  }
0x87: {  	[tilespmem:s4], [sflag:$0x2] =	stream.indirect.gather [hbm4b:s2+s6], $0x40, s1, s6, $0xb8;
	[tilespmem:$0x1AC00] =	vst v63  }
0x88: {  	_ =	swait.ge [sflag:s10], $0x8000  }
0x89: {  	[sflag:s10] =	ssyncset.done $0x0  }
0x8a: {  	s1 =	rddreg [dreg:$0x12];
	[sflag:s10] =	ssyncadd.s32 $0xFFFF8000  }
0x8b: {  	[hbm4b:s1+s8] =	stream.strided.scatter [tilespmem:s7], [sflag:$0x7], $0x8000, s11, s8, $0x38;
	[tilespmem:$0x1AC00] =	vst v63  }
0x8c: {  	_ =	swait.ge [sflag:s12], $0x8000  }
0x8d: {  	[sflag:s12] =	ssyncset.done $0x0  }
0x8e: {  	s1 =	simm.s32 $0x1400;
	[sflag:s12] =	ssyncadd.s32 $0xFFFF8000  }
0x8f: {  	[tilespmem:s9], [sflag:$0x3] =	stream.indirect.gather [hbm4b:s2+s6], $0x40, s1, s6, $0xb8;
	[tilespmem:$0x1AC00] =	vst v63  }
0x90: {  	_ =	swait.ge [sflag:s5], $0x8000  }
0x91: {  	[sflag:s5] =	ssyncset.done $0x0  }
0x92: {  	s1 =	rddreg [dreg:$0x13];
	[sflag:s5] =	ssyncadd.s32 $0xFFFF8000  }
0x93: {  	[hbm4b:s1+s8] =	stream.strided.scatter [tilespmem:s4], [sflag:$0x5], $0x8000, s11, s8, $0x38;
	[tilespmem:$0x1AC00] =	vst v63  }
0x94: {  	_ =	swait.ge [sflag:s13], $0x8000  }
0x95: {  	[sflag:s13] =	ssyncset.done $0x0  }
0x96: {  	[sflag:s13] =	ssyncadd.s32 $0xFFFF8000  }
0x97: {  	[tilespmem:s7], [sflag:$0x4] =	stream.indirect.gather [hbm4b:s2+s6], $0x40, s29, s6, $0xb8;
	[tilespmem:$0x1AC00] =	vst v63  }
0x98: {  	_ =	swait.ge [sflag:s14], $0x8000  }
0x99: {  	[sflag:s14] =	ssyncset.done $0x0  }
0x9a: {  	s1 =	rddreg [dreg:$0x14];
	[sflag:s14] =	ssyncadd.s32 $0xFFFF8000  }
0x9b: {  	[hbm4b:s1+s8] =	stream.strided.scatter [tilespmem:s9], [sflag:$0x6], $0x8000, s11, s8, $0x38;
	[tilespmem:$0x1AC00] =	vst v63  }
0x9c: {  	_ =	swait.ge [sflag:s3], $0x8000  }
0x9d: {  	[sflag:s3] =	ssyncset.done $0x0  }
0x9e: {  	[sflag:s3] =	ssyncadd.s32 $0xFFFF8000  }
0x9f: {  	[tilespmem:s4], [sflag:$0x2] =	stream.indirect.gather [hbm4b:s2+s6], $0x40, s28, s6, $0xb8;
	[tilespmem:$0x1AC00] =	vst v63  }
0xa0: {  	_ =	swait.ge [sflag:s10], $0x8000  }
0xa1: {  	[sflag:s10] =	ssyncset.done $0x0  }
0xa2: {  	s1 =	rddreg [dreg:$0x15];
	[sflag:s10] =	ssyncadd.s32 $0xFFFF8000  }
0xa3: {  	[hbm4b:s1+s8] =	stream.strided.scatter [tilespmem:s7], [sflag:$0x7], $0x8000, s11, s8, $0x38;
	[tilespmem:$0x1AC00] =	vst v63  }
0xa4: {  	_ =	swait.ge [sflag:s12], $0x8000  }
0xa5: {  	[sflag:s12] =	ssyncset.done $0x0  }
0xa6: {  	[sflag:s12] =	ssyncadd.s32 $0xFFFF8000  }
0xa7: {  	[tilespmem:s9], [sflag:$0x3] =	stream.indirect.gather [hbm4b:s2+s6], $0x40, s25, s6, $0xb8;
	[tilespmem:$0x1AC00] =	vst v63  }
0xa8: {  	_ =	swait.ge [sflag:s5], $0x8000  }
0xa9: {  	[sflag:s5] =	ssyncset.done $0x0  }
0xaa: {  	s1 =	rddreg [dreg:$0x16];
	[sflag:s5] =	ssyncadd.s32 $0xFFFF8000  }
0xab: {  	[hbm4b:s1+s8] =	stream.strided.scatter [tilespmem:s4], [sflag:$0x5], $0x8000, s11, s8, $0x38;
	[tilespmem:$0x1AC00] =	vst v63  }
0xac: {  	_ =	swait.ge [sflag:s13], $0x8000  }
0xad: {  	[sflag:s13] =	ssyncset.done $0x0  }
0xae: {  	[sflag:s13] =	ssyncadd.s32 $0xFFFF8000  }
0xaf: {  	[tilespmem:s7], [sflag:$0x4] =	stream.indirect.gather [hbm4b:s2+s6], $0x40, s23, s6, $0xb8;
	[tilespmem:$0x1AC00] =	vst v63  }
0xb0: {  	_ =	swait.ge [sflag:s14], $0x8000  }
0xb1: {  	[sflag:s14] =	ssyncset.done $0x0  }
0xb2: {  	s1 =	rddreg [dreg:$0x17];
	[sflag:s14] =	ssyncadd.s32 $0xFFFF8000  }
0xb3: {  	[hbm4b:s1+s8] =	stream.strided.scatter [tilespmem:s9], [sflag:$0x6], $0x8000, s11, s8, $0x38;
	[tilespmem:$0x1AC00] =	vst v63  }
0xb4: {  	_ =	swait.ge [sflag:s3], $0x8000  }
0xb5: {  	[sflag:s3] =	ssyncset.done $0x0  }
0xb6: {  	[sflag:s3] =	ssyncadd.s32 $0xFFFF8000  }
0xb7: {  	[tilespmem:s4], [sflag:$0x2] =	stream.indirect.gather [hbm4b:s2+s6], $0x40, s22, s6, $0xb8;
	[tilespmem:$0x1AC00] =	vst v63  }
0xb8: {  	_ =	swait.ge [sflag:s10], $0x8000  }
0xb9: {  	[sflag:s10] =	ssyncset.done $0x0  }
0xba: {  	s1 =	rddreg [dreg:$0x18];
	[sflag:s10] =	ssyncadd.s32 $0xFFFF8000  }
0xbb: {  	[hbm4b:s1+s8] =	stream.strided.scatter [tilespmem:s7], [sflag:$0x7], $0x8000, s11, s8, $0x38;
	[tilespmem:$0x1AC00] =	vst v63  }
0xbc: {  	_ =	swait.ge [sflag:s12], $0x8000  }
0xbd: {  	[sflag:s12] =	ssyncset.done $0x0  }
0xbe: {  	[sflag:s12] =	ssyncadd.s32 $0xFFFF8000  }
0xbf: {  	[tilespmem:s9], [sflag:$0x3] =	stream.indirect.gather [hbm4b:s2+s6], $0x40, s21, s6, $0xb8;
	[tilespmem:$0x1AC00] =	vst v63  }
0xc0: {  	_ =	swait.ge [sflag:s5], $0x8000  }
0xc1: {  	[sflag:s5] =	ssyncset.done $0x0  }
0xc2: {  	s1 =	rddreg [dreg:$0x19];
	[sflag:s5] =	ssyncadd.s32 $0xFFFF8000  }
0xc3: {  	[hbm4b:s1+s8] =	stream.strided.scatter [tilespmem:s4], [sflag:$0x5], $0x8000, s11, s8, $0x38;
	[tilespmem:$0x1AC00] =	vst v63  }
0xc4: {  	_ =	swait.ge [sflag:s13], $0x8000  }
0xc5: {  	[sflag:s13] =	ssyncset.done $0x0  }
0xc6: {  	[sflag:s13] =	ssyncadd.s32 $0xFFFF8000  }
0xc7: {  	[tilespmem:s7], [sflag:$0x4] =	stream.indirect.gather [hbm4b:s2+s6], $0x40, s20, s6, $0xb8;
	[tilespmem:$0x1AC00] =	vst v63  }
0xc8: {  	_ =	swait.ge [sflag:s14], $0x8000  }
0xc9: {  	[sflag:s14] =	ssyncset.done $0x0  }
0xca: {  	s1 =	rddreg [dreg:$0x1a];
	[sflag:s14] =	ssyncadd.s32 $0xFFFF8000  }
0xcb: {  	[hbm4b:s1+s8] =	stream.strided.scatter [tilespmem:s9], [sflag:$0x6], $0x8000, s11, s8, $0x38;
	[tilespmem:$0x1AC00] =	vst v63  }
0xcc: {  	_ =	swait.ge [sflag:s3], $0x8000  }
0xcd: {  	[sflag:s3] =	ssyncset.done $0x0  }
0xce: {  	[sflag:s3] =	ssyncadd.s32 $0xFFFF8000  }
0xcf: {  	[tilespmem:s4], [sflag:$0x2] =	stream.indirect.gather [hbm4b:s2+s6], $0x40, s19, s6, $0xb8;
	[tilespmem:$0x1AC00] =	vst v63  }
0xd0: {  	_ =	swait.ge [sflag:s10], $0x8000  }
0xd1: {  	[sflag:s10] =	ssyncset.done $0x0  }
0xd2: {  	s1 =	rddreg [dreg:$0x1b];
	[sflag:s10] =	ssyncadd.s32 $0xFFFF8000  }
0xd3: {  	[hbm4b:s1+s8] =	stream.strided.scatter [tilespmem:s7], [sflag:$0x7], $0x8000, s11, s8, $0x38;
	[tilespmem:$0x1AC00] =	vst v63  }
0xd4: {  	_ =	swait.ge [sflag:s12], $0x8000  }
0xd5: {  	[sflag:s12] =	ssyncset.done $0x0  }
0xd6: {  	[sflag:s12] =	ssyncadd.s32 $0xFFFF8000  }
0xd7: {  	[tilespmem:s9], [sflag:$0x3] =	stream.indirect.gather [hbm4b:s2+s6], $0x40, s18, s6, $0xb8;
	[tilespmem:$0x1AC00] =	vst v63  }
0xd8: {  	_ =	swait.ge [sflag:s5], $0x8000  }
0xd9: {  	[sflag:s5] =	ssyncset.done $0x0  }
0xda: {  	s1 =	rddreg [dreg:$0x1c];
	[sflag:s5] =	ssyncadd.s32 $0xFFFF8000  }
0xdb: {  	[hbm4b:s1+s8] =	stream.strided.scatter [tilespmem:s4], [sflag:$0x5], $0x8000, s11, s8, $0x38;
	[tilespmem:$0x1AC00] =	vst v63  }
0xdc: {  	_ =	swait.ge [sflag:s13], $0x8000  }
0xdd: {  	[sflag:s13] =	ssyncset.done $0x0  }
0xde: {  	[sflag:s13] =	ssyncadd.s32 $0xFFFF8000  }
0xdf: {  	[tilespmem:s7], [sflag:$0x4] =	stream.indirect.gather [hbm4b:s2+s6], $0x40, s17, s6, $0xb8;
	[tilespmem:$0x1AC00] =	vst v63  }
0xe0: {  	_ =	swait.ge [sflag:s14], $0x8000  }
0xe1: {  	[sflag:s14] =	ssyncset.done $0x0  }
0xe2: {  	s1 =	rddreg [dreg:$0x1d];
	[sflag:s14] =	ssyncadd.s32 $0xFFFF8000  }
0xe3: {  	[hbm4b:s1+s8] =	stream.strided.scatter [tilespmem:s9], [sflag:$0x6], $0x8000, s11, s8, $0x38;
	[tilespmem:$0x1AC00] =	vst v63  }
0xe4: {  	_ =	swait.ge [sflag:s3], $0x8000  }
0xe5: {  	[sflag:s3] =	ssyncset.done $0x0  }
0xe6: {  	[sflag:s3] =	ssyncadd.s32 $0xFFFF8000  }
0xe7: {  	[tilespmem:s4], [sflag:$0x2] =	stream.indirect.gather [hbm4b:s2+s6], $0x40, s15, s6, $0xb8;
	[tilespmem:$0x1AC00] =	vst v63  }
0xe8: {  	_ =	swait.ge [sflag:s10], $0x8000  }
0xe9: {  	[sflag:s10] =	ssyncset.done $0x0  }
0xea: {  	s1 =	rddreg [dreg:$0x1e];
	[sflag:s10] =	ssyncadd.s32 $0xFFFF8000  }
0xeb: {  	[hbm4b:s1+s8] =	stream.strided.scatter [tilespmem:s7], [sflag:$0x7], $0x8000, s11, s8, $0x38;
	[tilespmem:$0x1AC00] =	vst v63  }
0xec: {  	_ =	swait.ge [sflag:s5], $0x8000  }
0xed: {  	[sflag:s5] =	ssyncset.done $0x0  }
0xee: {  	s15 =	rddreg [dreg:$0x1f];
	[sflag:s5] =	ssyncadd.s32 $0xFFFF8000  }
0xef: {  	[hbm4b:s15+s8] =	stream.strided.scatter [tilespmem:s4], [sflag:$0x5], $0x8000, s11, s8, $0x38;
	[tilespmem:$0x1AC00] =	vst v63  }
0xf0: {  	_ =	swait.ge [sflag:s12], $0x8000  }
0xf1: {  	[sflag:s12] =	ssyncset.done $0x0  }
0xf2: {  	p1 =	sne.s32 s16, $0x1;
	[sflag:s12] =	ssyncadd.s32 $0xFFFF8000  }
.Ltmp1:
0xf3: {  	_ =	swait.ge [sflag:s13], $0x8000;
	(pc) =	sbr.rel @!p1 .LBB2_3-.Ltmp1, $4  }
0xf4: {  	[sflag:s13] =	ssyncset.done $0x0  }
0xf5: {  	[sflag:s13] =	ssyncadd.s32 $0xFFFF8000  }
0xf6: {  	p0 =	por $0x1, $0x1;
	_ =	swait.ge [sflag:s3], $0x8000  }
0xf7: {  	s0 =	sadd.s32 $0xFFFFFFFF, s16;
	s1 =	rddreg [dreg:$0x8];
	[sflag:s3] =	ssyncset.done $0x0  }
.LBB2_4:
0xf8: {  	s15 =	sld [smem:$0x7F6];
	[sflag:s3] =	ssyncadd.s32 $0xFFFF8000  }
0xf9: {  	[tilespmem:s24], [sflag:$0x1] =	stream.linear.gather [hbm4b:s1+s24], $0x200, $0x38;
	[tilespmem:$0x1AC00] =	vst v63  }
0xfa: {  	s16 =	rddreg [dreg:$0x9]  }
0xfb: {  	[tilespmem:s6], [sflag:$0x1] =	stream.linear.gather [hbm4b:s16+s24], $0x200, $0x38;
	[tilespmem:$0x1AC00] =	vst v63  }
0xfc: {  	s1 =	rddreg [dreg:$0xa]  }
0xfd: {  	[tilespmem:s30], [sflag:$0x1] =	stream.strided.gather [hbm4b:s1+s6], $0x2800, s15, s6, $0x38;
	[tilespmem:$0x1AC00] =	vst v63  }
0xfe: {  	_ =	swait.ge [sflag:s31], $0x200  }
0xff: {  	[sflag:s31] =	ssyncset.done $0x0  }
0x100: {  	[sflag:s31] =	ssyncadd.s32 $0xFFFFFE00  }
0x101: {  	_ =	swait.ge [sflag:s31], $0x200  }
0x102: {  	[sflag:s31] =	ssyncset.done $0x0  }
0x103: {  	[sflag:s31] =	ssyncadd.s32 $0xFFFFFE00  }
0x104: {  	_ =	swait.ge [sflag:s31], $0x2800  }
0x105: {  	[sflag:s31] =	ssyncset.done $0x0  }
0x106: {  	s16 =	rddreg [dreg:$0x7];
	[sflag:s31] =	ssyncadd.s32 $0xFFFFD800  }
0x107: {  	[tilespmem:s4], [sflag:$0x2] =	stream.indirect.gather [hbm4b:s16+s6], $0x40, s24, s6, $0xb8;
	[tilespmem:$0x1AC00] =	vst v63  }
0x108: {  	_ = 	snop  }
0x109: {  	[tilespmem:s9], [sflag:$0x3] =	stream.indirect.gather [hbm4b:s2+s6], $0x40, s6, s6, $0xb8;
	[tilespmem:$0x1AC00] =	vst v63  }
0x10a: {  	_ =	swait.ge [sflag:s5], $0x8000  }
0x10b: {  	[sflag:s5] =	ssyncset.done $0x0  }
0x10c: {  	s16 =	rddreg [dreg:$0xb];
	[sflag:s5] =	ssyncadd.s32 $0xFFFF8000  }
0x10d: {  	[hbm4b:s16+s24] =	stream.linear.scatter [tilespmem:s4], [sflag:$0x5], $0x8000, $0x38;
	[tilespmem:$0x1AC00] =	vst v63  }
0x10e: {  	_ = 	snop  }
0x10f: {  	[tilespmem:s7], [sflag:$0x4] =	stream.indirect.gather [hbm4b:s2+s6], $0x40, s30, s6, $0xb8;
	[tilespmem:$0x1AC00] =	vst v63  }
0x110: {  	_ =	swait.ge [sflag:s14], $0x8000  }
0x111: {  	[sflag:s14] =	ssyncset.done $0x0  }
0x112: {  	s16 =	rddreg [dreg:$0xc];
	[sflag:s14] =	ssyncadd.s32 $0xFFFF8000  }
0x113: {  	[hbm4b:s16+s24] =	stream.linear.scatter [tilespmem:s9], [sflag:$0x6], $0x8000, $0x38;
	[tilespmem:$0x1AC00] =	vst v63  }
0x114: {  	_ =	swait.ge [sflag:s3], $0x8000  }
0x115: {  	s16 =	sld [smem:$0x7F7]  }
0x116: {  	[sflag:s3] =	ssyncset.done $0x0  }
0x117: {  	[sflag:s3] =	ssyncadd.s32 $0xFFFF8000  }
0x118: {  	[tilespmem:s4], [sflag:$0x2] =	stream.indirect.gather [hbm4b:s2+s6], $0x40, s16, s6, $0xb8;
	[tilespmem:$0x1AC00] =	vst v63  }
0x119: {  	_ =	swait.ge [sflag:s10], $0x8000  }
0x11a: {  	[sflag:s10] =	ssyncset.done $0x0  }
0x11b: {  	[sflag:s10] =	ssyncadd.s32 $0xFFFF8000  }
0x11c: {  	[hbm4b:s26+s8] =	stream.strided.scatter [tilespmem:s7], [sflag:$0x7], $0x8000, s11, s8, $0x38;
	[tilespmem:$0x1AC00] =	vst v63  }
0x11d: {  	_ =	swait.ge [sflag:s12], $0x8000  }
0x11e: {  	s16 =	sld [smem:$0x7F8]  }
0x11f: {  	[sflag:s12] =	ssyncset.done $0x0  }
0x120: {  	[sflag:s12] =	ssyncadd.s32 $0xFFFF8000  }
0x121: {  	[tilespmem:s9], [sflag:$0x3] =	stream.indirect.gather [hbm4b:s2+s6], $0x40, s16, s6, $0xb8;
	[tilespmem:$0x1AC00] =	vst v63  }
0x122: {  	_ =	swait.ge [sflag:s5], $0x8000  }
0x123: {  	[sflag:s5] =	ssyncset.done $0x0  }
0x124: {  	s16 =	rddreg [dreg:$0xd];
	[sflag:s5] =	ssyncadd.s32 $0xFFFF8000  }
0x125: {  	[hbm4b:s16+s8] =	stream.strided.scatter [tilespmem:s4], [sflag:$0x5], $0x8000, s11, s8, $0x38;
	[tilespmem:$0x1AC00] =	vst v63  }
0x126: {  	_ =	swait.ge [sflag:s13], $0x8000  }
0x127: {  	s16 =	sld [smem:$0x7F9]  }
0x128: {  	[sflag:s13] =	ssyncset.done $0x0  }
0x129: {  	[sflag:s13] =	ssyncadd.s32 $0xFFFF8000  }
0x12a: {  	[tilespmem:s7], [sflag:$0x4] =	stream.indirect.gather [hbm4b:s2+s6], $0x40, s16, s6, $0xb8;
	[tilespmem:$0x1AC00] =	vst v63  }
0x12b: {  	_ =	swait.ge [sflag:s14], $0x8000  }
0x12c: {  	[sflag:s14] =	ssyncset.done $0x0  }
0x12d: {  	s16 =	rddreg [dreg:$0xe];
	[sflag:s14] =	ssyncadd.s32 $0xFFFF8000  }
0x12e: {  	[hbm4b:s16+s8] =	stream.strided.scatter [tilespmem:s9], [sflag:$0x6], $0x8000, s11, s8, $0x38;
	[tilespmem:$0x1AC00] =	vst v63  }
0x12f: {  	_ =	swait.ge [sflag:s3], $0x8000  }
0x130: {  	s16 =	sld [smem:$0x7FA]  }
0x131: {  	[sflag:s3] =	ssyncset.done $0x0  }
0x132: {  	[sflag:s3] =	ssyncadd.s32 $0xFFFF8000  }
0x133: {  	[tilespmem:s4], [sflag:$0x2] =	stream.indirect.gather [hbm4b:s2+s6], $0x40, s16, s6, $0xb8;
	[tilespmem:$0x1AC00] =	vst v63  }
0x134: {  	_ =	swait.ge [sflag:s10], $0x8000  }
0x135: {  	[sflag:s10] =	ssyncset.done $0x0  }
0x136: {  	s16 =	rddreg [dreg:$0xf];
	[sflag:s10] =	ssyncadd.s32 $0xFFFF8000  }
0x137: {  	[hbm4b:s16+s8] =	stream.strided.scatter [tilespmem:s7], [sflag:$0x7], $0x8000, s11, s8, $0x38;
	[tilespmem:$0x1AC00] =	vst v63  }
0x138: {  	_ =	swait.ge [sflag:s12], $0x8000  }
0x139: {  	s16 =	sld [smem:$0x7FB]  }
0x13a: {  	[sflag:s12] =	ssyncset.done $0x0  }
0x13b: {  	[sflag:s12] =	ssyncadd.s32 $0xFFFF8000  }
0x13c: {  	[tilespmem:s9], [sflag:$0x3] =	stream.indirect.gather [hbm4b:s2+s6], $0x40, s16, s6, $0xb8;
	[tilespmem:$0x1AC00] =	vst v63  }
0x13d: {  	_ =	swait.ge [sflag:s5], $0x8000  }
0x13e: {  	[sflag:s5] =	ssyncset.done $0x0  }
0x13f: {  	s16 =	rddreg [dreg:$0x10];
	[sflag:s5] =	ssyncadd.s32 $0xFFFF8000  }
0x140: {  	[hbm4b:s16+s8] =	stream.strided.scatter [tilespmem:s4], [sflag:$0x5], $0x8000, s11, s8, $0x38;
	[tilespmem:$0x1AC00] =	vst v63  }
0x141: {  	_ =	swait.ge [sflag:s13], $0x8000  }
0x142: {  	s16 =	sld [smem:$0x7FC]  }
0x143: {  	[sflag:s13] =	ssyncset.done $0x0  }
0x144: {  	[sflag:s13] =	ssyncadd.s32 $0xFFFF8000  }
0x145: {  	[tilespmem:s7], [sflag:$0x4] =	stream.indirect.gather [hbm4b:s2+s6], $0x40, s16, s6, $0xb8;
	[tilespmem:$0x1AC00] =	vst v63  }
0x146: {  	_ =	swait.ge [sflag:s14], $0x8000  }
0x147: {  	[sflag:s14] =	ssyncset.done $0x0  }
0x148: {  	s16 =	rddreg [dreg:$0x11];
	[sflag:s14] =	ssyncadd.s32 $0xFFFF8000  }
0x149: {  	[hbm4b:s16+s8] =	stream.strided.scatter [tilespmem:s9], [sflag:$0x6], $0x8000, s11, s8, $0x38;
	[tilespmem:$0x1AC00] =	vst v63  }
0x14a: {  	_ =	swait.ge [sflag:s3], $0x8000  }
0x14b: {  	s16 =	sld [smem:$0x7FD]  }
0x14c: {  	[sflag:s3] =	ssyncset.done $0x0  }
0x14d: {  	[sflag:s3] =	ssyncadd.s32 $0xFFFF8000  }
0x14e: {  	[tilespmem:s4], [sflag:$0x2] =	stream.indirect.gather [hbm4b:s2+s6], $0x40, s16, s6, $0xb8;
	[tilespmem:$0x1AC00] =	vst v63  }
0x14f: {  	_ =	swait.ge [sflag:s10], $0x8000  }
0x150: {  	[sflag:s10] =	ssyncset.done $0x0  }
0x151: {  	s16 =	rddreg [dreg:$0x12];
	[sflag:s10] =	ssyncadd.s32 $0xFFFF8000  }
0x152: {  	[hbm4b:s16+s8] =	stream.strided.scatter [tilespmem:s7], [sflag:$0x7], $0x8000, s11, s8, $0x38;
	[tilespmem:$0x1AC00] =	vst v63  }
0x153: {  	_ =	swait.ge [sflag:s12], $0x8000  }
0x154: {  	[sflag:s12] =	ssyncset.done $0x0  }
0x155: {  	s16 =	simm.s32 $0x1400;
	[sflag:s12] =	ssyncadd.s32 $0xFFFF8000  }
0x156: {  	[tilespmem:s9], [sflag:$0x3] =	stream.indirect.gather [hbm4b:s2+s6], $0x40, s16, s6, $0xb8;
	[tilespmem:$0x1AC00] =	vst v63  }
0x157: {  	_ =	swait.ge [sflag:s5], $0x8000  }
0x158: {  	[sflag:s5] =	ssyncset.done $0x0  }
0x159: {  	s16 =	rddreg [dreg:$0x13];
	[sflag:s5] =	ssyncadd.s32 $0xFFFF8000  }
0x15a: {  	[hbm4b:s16+s8] =	stream.strided.scatter [tilespmem:s4], [sflag:$0x5], $0x8000, s11, s8, $0x38;
	[tilespmem:$0x1AC00] =	vst v63  }
0x15b: {  	_ =	swait.ge [sflag:s13], $0x8000  }
0x15c: {  	[sflag:s13] =	ssyncset.done $0x0  }
0x15d: {  	[sflag:s13] =	ssyncadd.s32 $0xFFFF8000  }
0x15e: {  	[tilespmem:s7], [sflag:$0x4] =	stream.indirect.gather [hbm4b:s2+s6], $0x40, s29, s6, $0xb8;
	[tilespmem:$0x1AC00] =	vst v63  }
0x15f: {  	_ =	swait.ge [sflag:s14], $0x8000  }
0x160: {  	[sflag:s14] =	ssyncset.done $0x0  }
0x161: {  	s16 =	rddreg [dreg:$0x14];
	[sflag:s14] =	ssyncadd.s32 $0xFFFF8000  }
0x162: {  	[hbm4b:s16+s8] =	stream.strided.scatter [tilespmem:s9], [sflag:$0x6], $0x8000, s11, s8, $0x38;
	[tilespmem:$0x1AC00] =	vst v63  }
0x163: {  	_ =	swait.ge [sflag:s3], $0x8000  }
0x164: {  	[sflag:s3] =	ssyncset.done $0x0  }
0x165: {  	[sflag:s3] =	ssyncadd.s32 $0xFFFF8000  }
0x166: {  	[tilespmem:s4], [sflag:$0x2] =	stream.indirect.gather [hbm4b:s2+s6], $0x40, s28, s6, $0xb8;
	[tilespmem:$0x1AC00] =	vst v63  }
0x167: {  	_ =	swait.ge [sflag:s10], $0x8000  }
0x168: {  	[sflag:s10] =	ssyncset.done $0x0  }
0x169: {  	s16 =	rddreg [dreg:$0x15];
	[sflag:s10] =	ssyncadd.s32 $0xFFFF8000  }
0x16a: {  	[hbm4b:s16+s8] =	stream.strided.scatter [tilespmem:s7], [sflag:$0x7], $0x8000, s11, s8, $0x38;
	[tilespmem:$0x1AC00] =	vst v63  }
0x16b: {  	_ =	swait.ge [sflag:s12], $0x8000  }
0x16c: {  	[sflag:s12] =	ssyncset.done $0x0  }
0x16d: {  	[sflag:s12] =	ssyncadd.s32 $0xFFFF8000  }
0x16e: {  	[tilespmem:s9], [sflag:$0x3] =	stream.indirect.gather [hbm4b:s2+s6], $0x40, s25, s6, $0xb8;
	[tilespmem:$0x1AC00] =	vst v63  }
0x16f: {  	_ =	swait.ge [sflag:s5], $0x8000  }
0x170: {  	[sflag:s5] =	ssyncset.done $0x0  }
0x171: {  	s16 =	rddreg [dreg:$0x16];
	[sflag:s5] =	ssyncadd.s32 $0xFFFF8000  }
0x172: {  	[hbm4b:s16+s8] =	stream.strided.scatter [tilespmem:s4], [sflag:$0x5], $0x8000, s11, s8, $0x38;
	[tilespmem:$0x1AC00] =	vst v63  }
0x173: {  	_ =	swait.ge [sflag:s13], $0x8000  }
0x174: {  	[sflag:s13] =	ssyncset.done $0x0  }
0x175: {  	[sflag:s13] =	ssyncadd.s32 $0xFFFF8000  }
0x176: {  	[tilespmem:s7], [sflag:$0x4] =	stream.indirect.gather [hbm4b:s2+s6], $0x40, s23, s6, $0xb8;
	[tilespmem:$0x1AC00] =	vst v63  }
0x177: {  	_ =	swait.ge [sflag:s14], $0x8000  }
0x178: {  	[sflag:s14] =	ssyncset.done $0x0  }
0x179: {  	s16 =	rddreg [dreg:$0x17];
	[sflag:s14] =	ssyncadd.s32 $0xFFFF8000  }
0x17a: {  	[hbm4b:s16+s8] =	stream.strided.scatter [tilespmem:s9], [sflag:$0x6], $0x8000, s11, s8, $0x38;
	[tilespmem:$0x1AC00] =	vst v63  }
0x17b: {  	_ =	swait.ge [sflag:s3], $0x8000  }
0x17c: {  	[sflag:s3] =	ssyncset.done $0x0  }
0x17d: {  	[sflag:s3] =	ssyncadd.s32 $0xFFFF8000  }
0x17e: {  	[tilespmem:s4], [sflag:$0x2] =	stream.indirect.gather [hbm4b:s2+s6], $0x40, s22, s6, $0xb8;
	[tilespmem:$0x1AC00] =	vst v63  }
0x17f: {  	_ =	swait.ge [sflag:s10], $0x8000  }
0x180: {  	[sflag:s10] =	ssyncset.done $0x0  }
0x181: {  	s16 =	rddreg [dreg:$0x18];
	[sflag:s10] =	ssyncadd.s32 $0xFFFF8000  }
0x182: {  	[hbm4b:s16+s8] =	stream.strided.scatter [tilespmem:s7], [sflag:$0x7], $0x8000, s11, s8, $0x38;
	[tilespmem:$0x1AC00] =	vst v63  }
0x183: {  	_ =	swait.ge [sflag:s12], $0x8000  }
0x184: {  	[sflag:s12] =	ssyncset.done $0x0  }
0x185: {  	[sflag:s12] =	ssyncadd.s32 $0xFFFF8000  }
0x186: {  	[tilespmem:s9], [sflag:$0x3] =	stream.indirect.gather [hbm4b:s2+s6], $0x40, s21, s6, $0xb8;
	[tilespmem:$0x1AC00] =	vst v63  }
0x187: {  	_ =	swait.ge [sflag:s5], $0x8000  }
0x188: {  	[sflag:s5] =	ssyncset.done $0x0  }
0x189: {  	s16 =	rddreg [dreg:$0x19];
	[sflag:s5] =	ssyncadd.s32 $0xFFFF8000  }
0x18a: {  	[hbm4b:s16+s8] =	stream.strided.scatter [tilespmem:s4], [sflag:$0x5], $0x8000, s11, s8, $0x38;
	[tilespmem:$0x1AC00] =	vst v63  }
0x18b: {  	_ =	swait.ge [sflag:s13], $0x8000  }
0x18c: {  	[sflag:s13] =	ssyncset.done $0x0  }
0x18d: {  	[sflag:s13] =	ssyncadd.s32 $0xFFFF8000  }
0x18e: {  	[tilespmem:s7], [sflag:$0x4] =	stream.indirect.gather [hbm4b:s2+s6], $0x40, s20, s6, $0xb8;
	[tilespmem:$0x1AC00] =	vst v63  }
0x18f: {  	_ =	swait.ge [sflag:s14], $0x8000  }
0x190: {  	[sflag:s14] =	ssyncset.done $0x0  }
0x191: {  	s16 =	rddreg [dreg:$0x1a];
	[sflag:s14] =	ssyncadd.s32 $0xFFFF8000  }
0x192: {  	[hbm4b:s16+s8] =	stream.strided.scatter [tilespmem:s9], [sflag:$0x6], $0x8000, s11, s8, $0x38;
	[tilespmem:$0x1AC00] =	vst v63  }
0x193: {  	_ =	swait.ge [sflag:s3], $0x8000  }
0x194: {  	[sflag:s3] =	ssyncset.done $0x0  }
0x195: {  	[sflag:s3] =	ssyncadd.s32 $0xFFFF8000  }
0x196: {  	[tilespmem:s4], [sflag:$0x2] =	stream.indirect.gather [hbm4b:s2+s6], $0x40, s19, s6, $0xb8;
	[tilespmem:$0x1AC00] =	vst v63  }
0x197: {  	_ =	swait.ge [sflag:s10], $0x8000  }
0x198: {  	[sflag:s10] =	ssyncset.done $0x0  }
0x199: {  	s16 =	rddreg [dreg:$0x1b];
	[sflag:s10] =	ssyncadd.s32 $0xFFFF8000  }
0x19a: {  	[hbm4b:s16+s8] =	stream.strided.scatter [tilespmem:s7], [sflag:$0x7], $0x8000, s11, s8, $0x38;
	[tilespmem:$0x1AC00] =	vst v63  }
0x19b: {  	_ =	swait.ge [sflag:s12], $0x8000  }
0x19c: {  	[sflag:s12] =	ssyncset.done $0x0  }
0x19d: {  	[sflag:s12] =	ssyncadd.s32 $0xFFFF8000  }
0x19e: {  	[tilespmem:s9], [sflag:$0x3] =	stream.indirect.gather [hbm4b:s2+s6], $0x40, s18, s6, $0xb8;
	[tilespmem:$0x1AC00] =	vst v63  }
0x19f: {  	_ =	swait.ge [sflag:s5], $0x8000  }
0x1a0: {  	[sflag:s5] =	ssyncset.done $0x0  }
0x1a1: {  	s16 =	rddreg [dreg:$0x1c];
	[sflag:s5] =	ssyncadd.s32 $0xFFFF8000  }
0x1a2: {  	[hbm4b:s16+s8] =	stream.strided.scatter [tilespmem:s4], [sflag:$0x5], $0x8000, s11, s8, $0x38;
	[tilespmem:$0x1AC00] =	vst v63  }
0x1a3: {  	_ =	swait.ge [sflag:s13], $0x8000  }
0x1a4: {  	[sflag:s13] =	ssyncset.done $0x0  }
0x1a5: {  	[sflag:s13] =	ssyncadd.s32 $0xFFFF8000  }
0x1a6: {  	[tilespmem:s7], [sflag:$0x4] =	stream.indirect.gather [hbm4b:s2+s6], $0x40, s17, s6, $0xb8;
	[tilespmem:$0x1AC00] =	vst v63  }
0x1a7: {  	_ =	swait.ge [sflag:s14], $0x8000  }
0x1a8: {  	[sflag:s14] =	ssyncset.done $0x0  }
0x1a9: {  	s16 =	rddreg [dreg:$0x1d];
	[sflag:s14] =	ssyncadd.s32 $0xFFFF8000  }
0x1aa: {  	[hbm4b:s16+s8] =	stream.strided.scatter [tilespmem:s9], [sflag:$0x6], $0x8000, s11, s8, $0x38;
	[tilespmem:$0x1AC00] =	vst v63  }
0x1ab: {  	_ =	swait.ge [sflag:s3], $0x8000  }
0x1ac: {  	[sflag:s3] =	ssyncset.done $0x0  }
0x1ad: {  	s15 =	simm.s32 $0x2A00;
	[sflag:s3] =	ssyncadd.s32 $0xFFFF8000  }
0x1ae: {  	[tilespmem:s4], [sflag:$0x2] =	stream.indirect.gather [hbm4b:s2+s6], $0x40, s15, s6, $0xb8;
	[tilespmem:$0x1AC00] =	vst v63  }
0x1af: {  	_ =	swait.ge [sflag:s10], $0x8000  }
0x1b0: {  	[sflag:s10] =	ssyncset.done $0x0  }
0x1b1: {  	s15 =	rddreg [dreg:$0x1e];
	[sflag:s10] =	ssyncadd.s32 $0xFFFF8000  }
0x1b2: {  	[hbm4b:s15+s8] =	stream.strided.scatter [tilespmem:s7], [sflag:$0x7], $0x8000, s11, s8, $0x38;
	[tilespmem:$0x1AC00] =	vst v63  }
0x1b3: {  	_ =	swait.ge [sflag:s5], $0x8000  }
0x1b4: {  	[sflag:s5] =	ssyncset.done $0x0  }
0x1b5: {  	s16 =	rddreg [dreg:$0x1f];
	[sflag:s5] =	ssyncadd.s32 $0xFFFF8000  }
0x1b6: {  	[hbm4b:s16+s8] =	stream.strided.scatter [tilespmem:s4], [sflag:$0x5], $0x8000, s11, s8, $0x38;
	[tilespmem:$0x1AC00] =	vst v63  }
0x1b7: {  	_ =	swait.ge [sflag:s12], $0x8000  }
0x1b8: {  	[sflag:s12] =	ssyncset.done $0x0  }
0x1b9: {  	p1 =	sne.s32 s0, $0x1;
	[sflag:s12] =	ssyncadd.s32 $0xFFFF8000  }
.Ltmp2:
0x1ba: {  	_ =	swait.ge [sflag:s13], $0x8000;
	(pc) =	sbr.rel @p1 .LBB2_4-.Ltmp2, $4  }
0x1bb: {  	[sflag:s13] =	ssyncset.done $0x0  }
0x1bc: {  	[sflag:s13] =	ssyncadd.s32 $0xFFFF8000  }
0x1bd: {  	_ =	swait.ge [sflag:s3], $0x8000  }
0x1be: {  	s0 =	sadd.s32 $0xFFFFFFFF, s0;
	s1 =	rddreg [dreg:$0x8];
	[sflag:s3] =	ssyncset.done $0x0  }
0x1bf: {  	s17 =	simm.s32 $0x1400;
	s29 =	simm.s32 $0x1600  }
0x1c0: {  	s28 =	simm.s32 $0x1800;
	s25 =	simm.s32 $0x1A00;
	s23 =	simm.s32 $0x1C00  }
0x1c1: {  	s22 =	simm.s32 $0x1E00;
	s21 =	simm.s32 $0x2000;
	s20 =	simm.s32 $0x2200  }
0x1c2: {  	s19 =	simm.s32 $0x2400;
	s18 =	simm.s32 $0x2600;
	s16 =	rddreg [dreg:$0x6]  }
.LBB2_6:
0x1c3: {  	[sflag:s3] =	ssyncadd.s32 @p0 $0xFFFF8000;
	s0 =	rddreg [dreg:$0x9]  }
0x1c4: {  	[tilespmem:s24], [sflag:$0x1] =	stream.linear.gather [hbm4b:s1+s24], $0x200, $0x38;
	[tilespmem:$0x1AC00] =	vst v63  }
0x1c5: {  	s1 =	sld [smem:$0x7F6]  }
0x1c6: {  	[tilespmem:s6], [sflag:$0x1] =	stream.linear.gather [hbm4b:s0+s24], $0x200, $0x38;
	[tilespmem:$0x1AC00] =	vst v63  }
0x1c7: {  	s15 =	rddreg [dreg:$0xa]  }
0x1c8: {  	[tilespmem:s30], [sflag:$0x1] =	stream.strided.gather [hbm4b:s15+s6], $0x2800, s1, s6, $0x38;
	[tilespmem:$0x1AC00] =	vst v63  }
0x1c9: {  	_ =	swait.ge [sflag:s31], $0x200  }
0x1ca: {  	[sflag:s31] =	ssyncset.done $0x0  }
0x1cb: {  	[sflag:s31] =	ssyncadd.s32 $0xFFFFFE00  }
0x1cc: {  	_ =	swait.ge [sflag:s31], $0x200  }
0x1cd: {  	[sflag:s31] =	ssyncset.done $0x0  }
0x1ce: {  	[sflag:s31] =	ssyncadd.s32 $0xFFFFFE00  }
0x1cf: {  	_ =	swait.ge [sflag:s31], $0x2800  }
0x1d0: {  	[sflag:s31] =	ssyncset.done $0x0  }
0x1d1: {  	s15 =	rddreg [dreg:$0x7];
	[sflag:s31] =	ssyncadd.s32 $0xFFFFD800  }
0x1d2: {  	[tilespmem:s4], [sflag:$0x2] =	stream.indirect.gather [hbm4b:s15+s6], $0x40, s24, s6, $0xb8;
	[tilespmem:$0x1AC00] =	vst v63  }
0x1d3: {  	_ = 	snop  }
0x1d4: {  	[tilespmem:s9], [sflag:$0x3] =	stream.indirect.gather [hbm4b:s2+s6], $0x40, s6, s6, $0xb8;
	[tilespmem:$0x1AC00] =	vst v63  }
0x1d5: {  	_ =	swait.ge [sflag:s5], $0x8000  }
0x1d6: {  	[sflag:s5] =	ssyncset.done $0x0  }
0x1d7: {  	s1 =	rddreg [dreg:$0xb];
	[sflag:s5] =	ssyncadd.s32 $0xFFFF8000  }
0x1d8: {  	[hbm4b:s1+s24] =	stream.linear.scatter [tilespmem:s4], [sflag:$0x5], $0x8000, $0x38;
	[tilespmem:$0x1AC00] =	vst v63  }
0x1d9: {  	_ = 	snop  }
0x1da: {  	[tilespmem:s7], [sflag:$0x4] =	stream.indirect.gather [hbm4b:s2+s6], $0x40, s30, s6, $0xb8;
	[tilespmem:$0x1AC00] =	vst v63  }
0x1db: {  	_ =	swait.ge [sflag:s14], $0x8000  }
0x1dc: {  	[sflag:s14] =	ssyncset.done $0x0  }
0x1dd: {  	s15 =	rddreg [dreg:$0xc];
	[sflag:s14] =	ssyncadd.s32 $0xFFFF8000  }
0x1de: {  	[hbm4b:s15+s24] =	stream.linear.scatter [tilespmem:s9], [sflag:$0x6], $0x8000, $0x38;
	[tilespmem:$0x1AC00] =	vst v63  }
0x1df: {  	_ =	swait.ge [sflag:s3], $0x8000  }
0x1e0: {  	s24 =	sld [smem:$0x7F7]  }
0x1e1: {  	[sflag:s3] =	ssyncset.done $0x0  }
0x1e2: {  	[sflag:s3] =	ssyncadd.s32 $0xFFFF8000  }
0x1e3: {  	[tilespmem:s4], [sflag:$0x2] =	stream.indirect.gather [hbm4b:s2+s6], $0x40, s24, s6, $0xb8;
	[tilespmem:$0x1AC00] =	vst v63  }
0x1e4: {  	_ =	swait.ge [sflag:s10], $0x8000  }
0x1e5: {  	[sflag:s10] =	ssyncset.done $0x0  }
0x1e6: {  	[sflag:s10] =	ssyncadd.s32 $0xFFFF8000  }
0x1e7: {  	[hbm4b:s26+s8] =	stream.strided.scatter [tilespmem:s7], [sflag:$0x7], $0x8000, s11, s8, $0x38;
	[tilespmem:$0x1AC00] =	vst v63  }
0x1e8: {  	_ =	swait.ge [sflag:s12], $0x8000  }
0x1e9: {  	s26 =	sld [smem:$0x7F8]  }
0x1ea: {  	[sflag:s12] =	ssyncset.done $0x0  }
0x1eb: {  	[sflag:s12] =	ssyncadd.s32 $0xFFFF8000  }
0x1ec: {  	[tilespmem:s9], [sflag:$0x3] =	stream.indirect.gather [hbm4b:s2+s6], $0x40, s26, s6, $0xb8;
	[tilespmem:$0x1AC00] =	vst v63  }
0x1ed: {  	_ =	swait.ge [sflag:s5], $0x8000  }
0x1ee: {  	[sflag:s5] =	ssyncset.done $0x0  }
0x1ef: {  	s30 =	rddreg [dreg:$0xd];
	[sflag:s5] =	ssyncadd.s32 $0xFFFF8000  }
0x1f0: {  	[hbm4b:s30+s8] =	stream.strided.scatter [tilespmem:s4], [sflag:$0x5], $0x8000, s11, s8, $0x38;
	[tilespmem:$0x1AC00] =	vst v63  }
0x1f1: {  	_ =	swait.ge [sflag:s13], $0x8000  }
0x1f2: {  	s31 =	sld [smem:$0x7F9]  }
0x1f3: {  	[sflag:s13] =	ssyncset.done $0x0  }
0x1f4: {  	[sflag:s13] =	ssyncadd.s32 $0xFFFF8000  }
0x1f5: {  	[tilespmem:s7], [sflag:$0x4] =	stream.indirect.gather [hbm4b:s2+s6], $0x40, s31, s6, $0xb8;
	[tilespmem:$0x1AC00] =	vst v63  }
0x1f6: {  	_ =	swait.ge [sflag:s14], $0x8000  }
0x1f7: {  	[sflag:s14] =	ssyncset.done $0x0  }
0x1f8: {  	s1 =	rddreg [dreg:$0xe];
	[sflag:s14] =	ssyncadd.s32 $0xFFFF8000  }
0x1f9: {  	[hbm4b:s1+s8] =	stream.strided.scatter [tilespmem:s9], [sflag:$0x6], $0x8000, s11, s8, $0x38;
	[tilespmem:$0x1AC00] =	vst v63  }
0x1fa: {  	_ =	swait.ge [sflag:s3], $0x8000  }
0x1fb: {  	s15 =	sld [smem:$0x7FA]  }
0x1fc: {  	[sflag:s3] =	ssyncset.done $0x0  }
0x1fd: {  	[sflag:s3] =	ssyncadd.s32 $0xFFFF8000  }
0x1fe: {  	[tilespmem:s4], [sflag:$0x2] =	stream.indirect.gather [hbm4b:s2+s6], $0x40, s15, s6, $0xb8;
	[tilespmem:$0x1AC00] =	vst v63  }
0x1ff: {  	_ =	swait.ge [sflag:s10], $0x8000  }
0x200: {  	[sflag:s10] =	ssyncset.done $0x0  }
0x201: {  	s24 =	rddreg [dreg:$0xf];
	[sflag:s10] =	ssyncadd.s32 $0xFFFF8000  }
0x202: {  	[hbm4b:s24+s8] =	stream.strided.scatter [tilespmem:s7], [sflag:$0x7], $0x8000, s11, s8, $0x38;
	[tilespmem:$0x1AC00] =	vst v63  }
0x203: {  	_ =	swait.ge [sflag:s12], $0x8000  }
0x204: {  	s26 =	sld [smem:$0x7FB]  }
0x205: {  	[sflag:s12] =	ssyncset.done $0x0  }
0x206: {  	[sflag:s12] =	ssyncadd.s32 $0xFFFF8000  }
0x207: {  	[tilespmem:s9], [sflag:$0x3] =	stream.indirect.gather [hbm4b:s2+s6], $0x40, s26, s6, $0xb8;
	[tilespmem:$0x1AC00] =	vst v63  }
0x208: {  	_ =	swait.ge [sflag:s5], $0x8000  }
0x209: {  	[sflag:s5] =	ssyncset.done $0x0  }
0x20a: {  	s30 =	rddreg [dreg:$0x10];
	[sflag:s5] =	ssyncadd.s32 $0xFFFF8000  }
0x20b: {  	[hbm4b:s30+s8] =	stream.strided.scatter [tilespmem:s4], [sflag:$0x5], $0x8000, s11, s8, $0x38;
	[tilespmem:$0x1AC00] =	vst v63  }
0x20c: {  	_ =	swait.ge [sflag:s13], $0x8000  }
0x20d: {  	s31 =	sld [smem:$0x7FC]  }
0x20e: {  	[sflag:s13] =	ssyncset.done $0x0  }
0x20f: {  	[sflag:s13] =	ssyncadd.s32 $0xFFFF8000  }
0x210: {  	[tilespmem:s7], [sflag:$0x4] =	stream.indirect.gather [hbm4b:s2+s6], $0x40, s31, s6, $0xb8;
	[tilespmem:$0x1AC00] =	vst v63  }
0x211: {  	_ =	swait.ge [sflag:s14], $0x8000  }
0x212: {  	[sflag:s14] =	ssyncset.done $0x0  }
0x213: {  	s1 =	rddreg [dreg:$0x11];
	[sflag:s14] =	ssyncadd.s32 $0xFFFF8000  }
0x214: {  	[hbm4b:s1+s8] =	stream.strided.scatter [tilespmem:s9], [sflag:$0x6], $0x8000, s11, s8, $0x38;
	[tilespmem:$0x1AC00] =	vst v63  }
0x215: {  	_ =	swait.ge [sflag:s3], $0x8000  }
0x216: {  	s15 =	sld [smem:$0x7FD]  }
0x217: {  	[sflag:s3] =	ssyncset.done $0x0  }
0x218: {  	[sflag:s3] =	ssyncadd.s32 $0xFFFF8000  }
0x219: {  	[tilespmem:s4], [sflag:$0x2] =	stream.indirect.gather [hbm4b:s2+s6], $0x40, s15, s6, $0xb8;
	[tilespmem:$0x1AC00] =	vst v63  }
0x21a: {  	_ =	swait.ge [sflag:s10], $0x8000  }
0x21b: {  	[sflag:s10] =	ssyncset.done $0x0  }
0x21c: {  	s24 =	rddreg [dreg:$0x12];
	[sflag:s10] =	ssyncadd.s32 $0xFFFF8000  }
0x21d: {  	[hbm4b:s24+s8] =	stream.strided.scatter [tilespmem:s7], [sflag:$0x7], $0x8000, s11, s8, $0x38;
	[tilespmem:$0x1AC00] =	vst v63  }
0x21e: {  	_ =	swait.ge [sflag:s12], $0x8000  }
0x21f: {  	[sflag:s12] =	ssyncset.done $0x0  }
0x220: {  	[sflag:s12] =	ssyncadd.s32 $0xFFFF8000  }
0x221: {  	[tilespmem:s9], [sflag:$0x3] =	stream.indirect.gather [hbm4b:s2+s6], $0x40, s17, s6, $0xb8;
	[tilespmem:$0x1AC00] =	vst v63  }
0x222: {  	_ =	swait.ge [sflag:s5], $0x8000  }
0x223: {  	[sflag:s5] =	ssyncset.done $0x0  }
0x224: {  	s26 =	rddreg [dreg:$0x13];
	[sflag:s5] =	ssyncadd.s32 $0xFFFF8000  }
0x225: {  	[hbm4b:s26+s8] =	stream.strided.scatter [tilespmem:s4], [sflag:$0x5], $0x8000, s11, s8, $0x38;
	[tilespmem:$0x1AC00] =	vst v63  }
0x226: {  	_ =	swait.ge [sflag:s13], $0x8000  }
0x227: {  	[sflag:s13] =	ssyncset.done $0x0  }
0x228: {  	[sflag:s13] =	ssyncadd.s32 $0xFFFF8000  }
0x229: {  	[tilespmem:s7], [sflag:$0x4] =	stream.indirect.gather [hbm4b:s2+s6], $0x40, s29, s6, $0xb8;
	[tilespmem:$0x1AC00] =	vst v63  }
0x22a: {  	_ =	swait.ge [sflag:s14], $0x8000  }
0x22b: {  	[sflag:s14] =	ssyncset.done $0x0  }
0x22c: {  	s30 =	rddreg [dreg:$0x14];
	[sflag:s14] =	ssyncadd.s32 $0xFFFF8000  }
0x22d: {  	[hbm4b:s30+s8] =	stream.strided.scatter [tilespmem:s9], [sflag:$0x6], $0x8000, s11, s8, $0x38;
	[tilespmem:$0x1AC00] =	vst v63  }
0x22e: {  	_ =	swait.ge [sflag:s3], $0x8000  }
0x22f: {  	[sflag:s3] =	ssyncset.done $0x0  }
0x230: {  	[sflag:s3] =	ssyncadd.s32 $0xFFFF8000  }
0x231: {  	[tilespmem:s4], [sflag:$0x2] =	stream.indirect.gather [hbm4b:s2+s6], $0x40, s28, s6, $0xb8;
	[tilespmem:$0x1AC00] =	vst v63  }
0x232: {  	_ =	swait.ge [sflag:s10], $0x8000  }
0x233: {  	[sflag:s10] =	ssyncset.done $0x0  }
0x234: {  	s31 =	rddreg [dreg:$0x15];
	[sflag:s10] =	ssyncadd.s32 $0xFFFF8000  }
0x235: {  	[hbm4b:s31+s8] =	stream.strided.scatter [tilespmem:s7], [sflag:$0x7], $0x8000, s11, s8, $0x38;
	[tilespmem:$0x1AC00] =	vst v63  }
0x236: {  	_ =	swait.ge [sflag:s12], $0x8000  }
0x237: {  	[sflag:s12] =	ssyncset.done $0x0  }
0x238: {  	[sflag:s12] =	ssyncadd.s32 $0xFFFF8000  }
0x239: {  	[tilespmem:s9], [sflag:$0x3] =	stream.indirect.gather [hbm4b:s2+s6], $0x40, s25, s6, $0xb8;
	[tilespmem:$0x1AC00] =	vst v63  }
0x23a: {  	_ =	swait.ge [sflag:s5], $0x8000  }
0x23b: {  	[sflag:s5] =	ssyncset.done $0x0  }
0x23c: {  	s1 =	rddreg [dreg:$0x16];
	[sflag:s5] =	ssyncadd.s32 $0xFFFF8000  }
0x23d: {  	[hbm4b:s1+s8] =	stream.strided.scatter [tilespmem:s4], [sflag:$0x5], $0x8000, s11, s8, $0x38;
	[tilespmem:$0x1AC00] =	vst v63  }
0x23e: {  	_ =	swait.ge [sflag:s13], $0x8000  }
0x23f: {  	[sflag:s13] =	ssyncset.done $0x0  }
0x240: {  	[sflag:s13] =	ssyncadd.s32 $0xFFFF8000  }
0x241: {  	[tilespmem:s7], [sflag:$0x4] =	stream.indirect.gather [hbm4b:s2+s6], $0x40, s23, s6, $0xb8;
	[tilespmem:$0x1AC00] =	vst v63  }
0x242: {  	_ =	swait.ge [sflag:s14], $0x8000  }
0x243: {  	[sflag:s14] =	ssyncset.done $0x0  }
0x244: {  	s15 =	rddreg [dreg:$0x17];
	[sflag:s14] =	ssyncadd.s32 $0xFFFF8000  }
0x245: {  	[hbm4b:s15+s8] =	stream.strided.scatter [tilespmem:s9], [sflag:$0x6], $0x8000, s11, s8, $0x38;
	[tilespmem:$0x1AC00] =	vst v63  }
0x246: {  	_ =	swait.ge [sflag:s3], $0x8000  }
0x247: {  	[sflag:s3] =	ssyncset.done $0x0  }
0x248: {  	[sflag:s3] =	ssyncadd.s32 $0xFFFF8000  }
0x249: {  	[tilespmem:s4], [sflag:$0x2] =	stream.indirect.gather [hbm4b:s2+s6], $0x40, s22, s6, $0xb8;
	[tilespmem:$0x1AC00] =	vst v63  }
0x24a: {  	_ =	swait.ge [sflag:s10], $0x8000  }
0x24b: {  	[sflag:s10] =	ssyncset.done $0x0  }
0x24c: {  	s17 =	rddreg [dreg:$0x18];
	[sflag:s10] =	ssyncadd.s32 $0xFFFF8000  }
0x24d: {  	[hbm4b:s17+s8] =	stream.strided.scatter [tilespmem:s7], [sflag:$0x7], $0x8000, s11, s8, $0x38;
	[tilespmem:$0x1AC00] =	vst v63  }
0x24e: {  	_ =	swait.ge [sflag:s12], $0x8000  }
0x24f: {  	[sflag:s12] =	ssyncset.done $0x0  }
0x250: {  	[sflag:s12] =	ssyncadd.s32 $0xFFFF8000  }
0x251: {  	[tilespmem:s9], [sflag:$0x3] =	stream.indirect.gather [hbm4b:s2+s6], $0x40, s21, s6, $0xb8;
	[tilespmem:$0x1AC00] =	vst v63  }
0x252: {  	_ =	swait.ge [sflag:s5], $0x8000  }
0x253: {  	[sflag:s5] =	ssyncset.done $0x0  }
0x254: {  	s21 =	rddreg [dreg:$0x19];
	[sflag:s5] =	ssyncadd.s32 $0xFFFF8000  }
0x255: {  	[hbm4b:s21+s8] =	stream.strided.scatter [tilespmem:s4], [sflag:$0x5], $0x8000, s11, s8, $0x38;
	[tilespmem:$0x1AC00] =	vst v63  }
0x256: {  	_ =	swait.ge [sflag:s13], $0x8000  }
0x257: {  	[sflag:s13] =	ssyncset.done $0x0  }
0x258: {  	[sflag:s13] =	ssyncadd.s32 $0xFFFF8000  }
0x259: {  	[tilespmem:s7], [sflag:$0x4] =	stream.indirect.gather [hbm4b:s2+s6], $0x40, s20, s6, $0xb8;
	[tilespmem:$0x1AC00] =	vst v63  }
0x25a: {  	_ =	swait.ge [sflag:s14], $0x8000  }
0x25b: {  	[sflag:s14] =	ssyncset.done $0x0  }
0x25c: {  	s22 =	rddreg [dreg:$0x1a];
	[sflag:s14] =	ssyncadd.s32 $0xFFFF8000  }
0x25d: {  	[hbm4b:s22+s8] =	stream.strided.scatter [tilespmem:s9], [sflag:$0x6], $0x8000, s11, s8, $0x38;
	[tilespmem:$0x1AC00] =	vst v63  }
0x25e: {  	_ =	swait.ge [sflag:s3], $0x8000  }
0x25f: {  	[sflag:s3] =	ssyncset.done $0x0  }
0x260: {  	[sflag:s3] =	ssyncadd.s32 $0xFFFF8000  }
0x261: {  	[tilespmem:s4], [sflag:$0x2] =	stream.indirect.gather [hbm4b:s2+s6], $0x40, s19, s6, $0xb8;
	[tilespmem:$0x1AC00] =	vst v63  }
0x262: {  	_ =	swait.ge [sflag:s10], $0x8000  }
0x263: {  	[sflag:s10] =	ssyncset.done $0x0  }
0x264: {  	s23 =	rddreg [dreg:$0x1b];
	[sflag:s10] =	ssyncadd.s32 $0xFFFF8000  }
0x265: {  	[hbm4b:s23+s8] =	stream.strided.scatter [tilespmem:s7], [sflag:$0x7], $0x8000, s11, s8, $0x38;
	[tilespmem:$0x1AC00] =	vst v63  }
0x266: {  	_ =	swait.ge [sflag:s12], $0x8000  }
0x267: {  	[sflag:s12] =	ssyncset.done $0x0  }
0x268: {  	[sflag:s12] =	ssyncadd.s32 $0xFFFF8000  }
0x269: {  	[tilespmem:s9], [sflag:$0x3] =	stream.indirect.gather [hbm4b:s2+s6], $0x40, s18, s6, $0xb8;
	[tilespmem:$0x1AC00] =	vst v63  }
0x26a: {  	_ =	swait.ge [sflag:s5], $0x8000  }
0x26b: {  	[sflag:s5] =	ssyncset.done $0x0  }
0x26c: {  	s24 =	rddreg [dreg:$0x1c];
	[sflag:s5] =	ssyncadd.s32 $0xFFFF8000  }
0x26d: {  	[hbm4b:s24+s8] =	stream.strided.scatter [tilespmem:s4], [sflag:$0x5], $0x8000, s11, s8, $0x38;
	[tilespmem:$0x1AC00] =	vst v63  }
0x26e: {  	_ =	swait.ge [sflag:s13], $0x8000  }
0x26f: {  	[sflag:s13] =	ssyncset.done $0x0  }
0x270: {  	s25 =	simm.s32 $0x2800;
	[sflag:s13] =	ssyncadd.s32 $0xFFFF8000  }
0x271: {  	[tilespmem:s7], [sflag:$0x4] =	stream.indirect.gather [hbm4b:s2+s6], $0x40, s25, s6, $0xb8;
	[tilespmem:$0x1AC00] =	vst v63  }
0x272: {  	_ =	swait.ge [sflag:s14], $0x8000  }
0x273: {  	[sflag:s14] =	ssyncset.done $0x0  }
0x274: {  	s26 =	rddreg [dreg:$0x1d];
	[sflag:s14] =	ssyncadd.s32 $0xFFFF8000  }
0x275: {  	[hbm4b:s26+s8] =	stream.strided.scatter [tilespmem:s9], [sflag:$0x6], $0x8000, s11, s8, $0x38;
	[tilespmem:$0x1AC00] =	vst v63  }
0x276: {  	_ =	swait.ge [sflag:s3], $0x8000  }
0x277: {  	[sflag:s3] =	ssyncset.done $0x0  }
0x278: {  	s28 =	simm.s32 $0x2A00;
	[sflag:s3] =	ssyncadd.s32 $0xFFFF8000  }
0x279: {  	[tilespmem:s4], [sflag:$0x2] =	stream.indirect.gather [hbm4b:s2+s6], $0x40, s28, s6, $0xb8;
	[tilespmem:$0x1AC00] =	vst v63  }
0x27a: {  	_ =	swait.ge [sflag:s10], $0x8000  }
0x27b: {  	[sflag:s10] =	ssyncset.done $0x0  }
0x27c: {  	s29 =	rddreg [dreg:$0x1e];
	[sflag:s10] =	ssyncadd.s32 $0xFFFF8000  }
0x27d: {  	[hbm4b:s29+s8] =	stream.strided.scatter [tilespmem:s7], [sflag:$0x7], $0x8000, s11, s8, $0x38;
	[tilespmem:$0x1AC00] =	vst v63  }
0x27e: {  	_ =	swait.ge [sflag:s5], $0x8000  }
0x27f: {  	[sflag:s5] =	ssyncset.done $0x0  }
0x280: {  	s30 =	rddreg [dreg:$0x1f];
	[sflag:s5] =	ssyncadd.s32 $0xFFFF8000  }
0x281: {  	[hbm4b:s30+s8] =	stream.strided.scatter [tilespmem:s4], [sflag:$0x5], $0x8000, s11, s8, $0x38;
	[tilespmem:$0x1AC00] =	vst v63  }
0x282: {  	_ =	swait.ge [sflag:s12], $0x8000  }
0x283: {  	[sflag:s12] =	ssyncset.done $0x0  }
0x284: {  	[sflag:s12] =	ssyncadd.s32 $0xFFFF8000  }
0x285: {  	_ =	swait.ge [sflag:s13], $0x8000  }
0x286: {  	[sflag:s13] =	ssyncset.done $0x0  }
0x287: {  	[sflag:s13] =	ssyncadd.s32 $0xFFFF8000  }
0x288: {  	_ =	swait.ge [sflag:s3], $0x8000  }
0x289: {  	[sflag:s3] =	ssyncset.done $0x0  }
0x28a: {  	[sflag:s3] =	ssyncadd.s32 $0xFFFF8000  }
0x28b: {  	_ =	sfence.sel $0x180000  }
0x28c: {  	s31 =	stileid.u32;
	[bflag:$0x0] =	sbarrier.arrive $0xFFFF  }
0x28d: {  	p0 =	sne.s32 s31, $0x0;
	_ =	strace $0x90000047  }
0x28e: {  	s0 =	sadd.s32 @!p0 $0x100000, s16;
	[bflag:$0x2] =	sbarrier.arrive $0xFFFF  }
0x28f: {  	[sflag:s0] =	ssyncadd.tile.s32 @!p0 $0x1;
	_ =	shalt  }
.LBB2_1:
.Ltmp3:
0x290: {  	(pc) =	sbr.rel .LBB2_6-.Ltmp3, $4  }
0x291: {  	s17 =	simm.s32 $0x1400  }
0x292: {  	s29 =	simm.s32 $0x1600;
	s28 =	simm.s32 $0x1800;
	s25 =	simm.s32 $0x1A00  }
0x293: {  	s23 =	simm.s32 $0x1C00;
	s22 =	simm.s32 $0x1E00;
	s21 =	simm.s32 $0x2000  }
0x294: {  	s20 =	simm.s32 $0x2200;
	s19 =	simm.s32 $0x2400;
	s18 =	simm.s32 $0x2600  }
.LBB2_3:
.Ltmp4:
0x295: {  	(pc) =	sbr.rel .LBB2_6-.Ltmp4, $4  }
0x296: {  	s17 =	simm.s32 $0x1400;
	s29 =	simm.s32 $0x1600  }
0x297: {  	s28 =	simm.s32 $0x1800;
	s25 =	simm.s32 $0x1A00;
	s23 =	simm.s32 $0x1C00  }
0x298: {  	s22 =	simm.s32 $0x1E00;
	s21 =	simm.s32 $0x2000;
	s20 =	simm.s32 $0x2200  }
0x299: {  	s19 =	simm.s32 $0x2400;
	s18 =	simm.s32 $0x2600;
	s16 =	rddreg [dreg:$0x6]  }
.Lfunc_end2:
_tile_overlayer_lowered:
.L_overlay_start_2:
0x29a: {  	(tag) =	ssettag $0x2  }
0x29b: {  	s0 =	rddreg [dreg:$0x0];
	s2 =	stileid.u32  }
0x29c: {  	s1 =	rddreg [dreg:$0x1];
	p0 =	sne.s32 s2, $0x0  }
0x29d: {  	s3 =	rddreg [dreg:$0x2];
	[bflag:$0x3] =	sbarrier.arrive $0xFFFF;
	s2 =	simm.s32 @!p0 $0x1C08  }
0x29e: {  	[timem:s3], [sflag:s2] =	dma.local @!p0 [hbm:s0], s1  }
0x29f: {  	s0 =	simm.s32 @!p0 $0x8  }
0x2a0: {  	_ =	swait.ge @!p0 [sflag:s0], s1  }
0x2a1: {  	s1 =	ssub.s32 @!p0 $0x0, s1;
	[sflag:s0] =	ssyncset.done @!p0 $0x0  }
0x2a2: {  	[sflag:s0] =	ssyncadd.s32 @!p0 s1  }
0x2a3: {  	[bflag:$0x3] =	sbarrier.arrive $0xFFFF  }
0x2a4: {  	_ =	shalt  }

// kernel: sparse-core-data-format-call.cloned.1.call-start
scs
called_computation_lowered:
.L_overlay_start_0:
0x0: {  	s2 =	sld [smem:$0x3FD9]  }
0x1: {  	s3 =	sld [smem:$0x3FFE];
	_ =	sdelay $0x1  }
0x2: {  	s1 =	srdreg.scid  }
0x3: {  	s0 =	sand.u32 $0x1, s1  }
0x4: {  	s15 =	sshll.u32 s0, $0xA;
	s2 =	sadd.s32 s3, s2  }
0x5: {  	s2 =	sadd.s32 s2, s15  }
0x6: {  	[smem:$0x3FC3] =	sst s2  }
0x7: {  	_ = 	snop  }
0x8: {  	s2 =	sld [smem:$0x3FD0];
	_ =	sdelay $0x2  }
0x9: {  	s16 =	simm.s32 $0xA;
	s4 =	simm.s32 $0x10  }
0xa: {  	[smem:s4], [sflag:s16] =	dma.local [hbm:s2], $0x1  }
0xb: {  	_ =	swait.eq [sflag:s16], $0x1  }
0xc: {  	[sflag:s16] =	ssyncset.done $0x0  }
0xd: {  	[sflag:s16] =	ssyncadd.s32 $0xFFFFFFFF  }
0xe: {  	s17 =	sld [smem:$0x12];
	(tm) =	ssettm $0x1  }
0xf: {  	s18 =	sld [smem:$0x3FFB];
	_ =	sdelay $0x3  }
0x10: {  	_ =	strace s18  }
0x11: {  	s3 =	sld [smem:$0x3FFC];
	_ =	sdelay $0x3  }
0x12: {  	_ =	strace s3  }
0x13: {  	s3 =	sld [smem:$0x3FFD];
	_ =	sdelay $0x3  }
0x14: {  	_ =	strace s3  }
0x15: {  	_ =	strace $0x8FFFFFFF  }
0x16: {  	s19 =	sld [smem:$0x3FDB];
	_ =	sdelay $0x1  }
0x17: {  	s20 =	simm.s32 $_scs_section_size  }
0x18: {  	s5 =	simm.s32 $_size__tile_overlayer_lowered;
	s6 =	simm.s32 $_tile_overlayer_lowered  }
0x19: {  	s23 =	simm.s32 $0x1BFF;
	s22 =	sshll.u32 s6, $0x1;
	s3 =	sadd.s32 s20, s19  }
0x1a: {  	s7 =	simm.s32 $0x0;
	s21 =	sshll.u32 s5, $0x1;
	s5 =	sadd.s32 s22, s3  }
0x1b: {  	[timem:s7], [sflag:s23] =	dma.local [hbm:s5], s21  }
0x1c: {  	_ =	swait.ge [sflag:s23], s21  }
0x1d: {  	s4 =	ssub.s32 $0x0, s21;
	[sflag:s23] =	ssyncset.done $0x0  }
0x1e: {  	[sflag:s23] =	ssyncadd.s32 s4;
	_ =	sdelay $0x1  }
0x1f: {  	s24 =	simm.s32 $0x1B8B  }
0x20: {  	_ =	swait.ge [sflag:s24], $0x1  }
0x21: {  	[sflag:s24] =	ssyncset.done $0x0  }
0x22: {  	s26 =	simm.s32 $0x1B8E;
	s25 =	sld [smem:$0x3FFE];
	[sflag:s24] =	ssyncadd.s32 $0xFFFFFFFF  }
0x23: {  	s27 =	simm.s32 $execute0_lowered;
	[smem:$0x3FD2] =	sst s26  }
0x24: {  	s5 =	sshll.u32 s27, $0x1;
	_ =	strace $0x80000049;
	[dreg:$0x1] =	wrdreg $0xFFFFFFFF  }
0x25: {  	s28 =	simm.s32 $_size_execute0_lowered;
	s3 =	sadd.s32 s3, s5;
	[dreg:$0x0] =	wrdreg $0x0  }
0x26: {  	s5 =	sshll.u32 s28, $0x1;
	[dreg:$0x2] =	wrdreg s3  }
0x27: {  	[dreg:$0x3] =	wrdreg s5  }
0x28: {  	[dreg:$0x4] =	wrdreg $0xC0  }
0x29: {  	_ =	task [dreg:s7], $0x5FFFF  }
0x2a: {  	[dreg:$0x1] =	wrdreg $0xFFFFFFFF  }
0x2b: {  	[dreg:$0x0] =	wrdreg $0x60  }
0x2c: {  	[dreg:$0x2] =	wrdreg s25  }
0x2d: {  	[dreg:$0x3] =	wrdreg s17  }
0x2e: {  	[dreg:$0x4] =	wrdreg $0x9  }
0x2f: {  	_ =	task.clear_ibuf [dreg:s7], $0x5FFFF;
	_ =	strace $0x90000049  }
0x30: {  	s29 =	simm.s32 $0x9;
	_ =	strace $0x8000004B  }
0x31: {  	_ =	swait.ge [sflag:s29], $0x1  }
0x32: {  	[sflag:s29] =	ssyncadd.s32 $0xFFFFFFFF  }
0x33: {  	_ =	strace $0x9000004B  }
0x34: {  	_ =	sfence  }
0x35: {  	s30 =	sld [smem:$0x0];
	_ =	sdelay $0x2  }
0x36: {  	s31 =	sshll.u32 s1, $0xD;
	s1 =	sshrl.u32 s1, $0x2  }
0x37: {  	s3 =	sand.u32 $0x4000, s31;
	s1 =	sadd.s32 s1, s30  }
0x38: {  	s0 =	sor.u32 s3, s0;
	s1 =	sshll.u32 s1, $0x11  }
0x39: {  	s0 =	sor.u32 s1, s0  }
0x3a: {  	s0 =	sadd.s32 $0x8F2B, s0  }
0x3b: {  	[sflag:s0] =	ssyncadd.remote.s32 $0x1  }
0x3c: {  	_ =	sfence.sel $0xFFFF  }
0x3d: {  	[dreg:$0x0] =	wrdreg $0xFFFFFFFF;
	(pc) =	sbr.abs _section_cstart, $3  }
0x3e: {  	[dreg:$0x1] =	wrdreg $0xFFFFFFFF  }
0x3f: {  	_ =	task.clear_ibuf [dreg:s7], $0x2FFFF;
	_ =	strace $0x9FFFFFFF  }
0x40: {  	(tm) =	ssettm $0x7FFFFFFF  }
0x41: {  	_ =	shalt  }
tec
execute0_lowered:
.L_overlay_start_1:
0x0: {  	(tag) =	ssettag $0x1  }
0x1: {  	s0 =	srdreg.scid  }
0x2: {  	s1 =	sshll.u32 s0, $0x4  }
0x3: {  	s0 =	stileid.u32;
	s1 =	sand.u32 $0x10, s1  }
0x4: {  	s1 =	sor.u32 s0, s1  }
0x5: {  	s6 =	rddreg [dreg:$0x0];
	s4 =	simm.s32 $0x1;
	s2 =	sshll.u32 s1, $0x7  }
0x6: {  	s7 =	simm.s32 $0x2;
	s12 =	simm.s32 $0x0;
	s1 =	ssub.s32 $0x4000, s2  }
0x7: {  	s8 =	simm.s32 $0x20000;
	s13 =	simm.s32 $0x0;
	s3 =	sand.u32 $0xF80, s1  }
0x8: {  	s9 =	simm.s32 $0x0;
	s5 =	sshrl.u32 s1, $0xC;
	p0 =	sne.s32 s3, $0x0  }
.Ltmp0:
0x9: {  	s1 =	rddreg [dreg:$0x2];
	s4 =	simm.s32 @!p0 $0x0;
	(pc) =	sbr.rel .LBB1_1-.Ltmp0, $4  }
0xa: {  	s11 =	simm.s32 $0x0;
	s3 =	rddreg [dreg:$0x1];
	s5 =	sadd.s32 s4, s5  }
0xb: {  	_ =	strace $0x8000004A;
	s4 =	simm.s32 $0x1;
	s5 =	smul.u32 $0x14, s5  }
0xc: {  	s6 =	sadd.s32 $0x21200, s6;
	s10 =	smov.u32 s2;
	[sflag:s4] =	ssyncpa.u1 $0x0  }
0xd: {  	p0 =	por $0x0, $0x0;
	[sflag:s7] =	ssyncpa.u1 $0x0;
	s7 =	sor.u32 $0x1, s5  }
.LBB1_4:
0xe: {  	s16 =	sshll.u32 s13, $0x3;
	s17 =	sand.u32 $0x78, s13  }
0xf: {  	s30 =	sand.u32 $0x1F800, s13;
	s12 =	sshll.u32 s12, $0x11;
	s16 =	sand.u32 $0x3C00, s16  }
0x10: {  	[tilespmem:s15+$0x810 ss:$0x81] =	vst.msk $0xffff, v2;
	s31 =	sand.u32 $0x7, s13;
	s16 =	sor.u32 s17, s16;
	s17 =	sadd.s32 s3, s30  }
0x11: {  	[tilespmem:s15+$0x1020 ss:$0x81] =	vst.msk $0xffff, v0;
	s13 =	sshll.u32 s31, $0x12;
	s12 =	sadd.s32 s12, s17;
	s16 =	sshrl.u32 s16, $0x3  }
0x12: {  	[tilespmem:s15+$0x0 ss:$0x81] =	vst.msk $0xffff, v1;
	s13 =	sor.u32 $0x400, s13;
	s12 =	sadd.s32 s16, s12  }
0x13: {  	[hbm4b:s12+s13] =	stream.strided.scatter [tilespmem:s14], [sflag:$0x2], $0x2000, s8, s13, $0x20;
	[tilespmem:$0x8080] =	vst v63  }
.LBB1_5:
0x14: {  	s14 =	sadd.s32 $0x1, s9  }
0x15: {  	s12 =	sadd.s32 $0x1000, s10;
	s16 =	smov.u32 s10;
	p2 =	sgt.s32 s14, $0x13  }
0x16: {  	s16 =	smov.u32 @p2 s12  }
0x17: {  	s14 =	simm.s32 @p2 $0x0;
	p2 =	sgt.s32 s16, $0x3FFF  }
0x18: {  	s16 =	smov.u32 @p2 s2;
	p2 =	sne.s32 s11, s7  }
.Ltmp1:
0x19: {  	p1 =	slt.u32 s11, $0x2;
	(pc) =	sbr.rel @!p2 .LBB1_6-.Ltmp1, $4  }
0x1a: {  	s15 =	simm.s32 @!p1 $0x2  }
0x1b: {  	s13 =	smov.u32 s10;
	p0 =	por !p0, !p0;
	_ =	swait.ge @!p1 [sflag:s15], $0x2000  }
0x1c: {  	s12 =	smov.u32 s9;
	[sflag:s15] =	ssyncset.done @!p1 $0x0;
	s9 =	smov.u32 s14  }
0x1d: {  	s11 =	sadd.s32 $0x1, s11;
	[sflag:s15] =	ssyncadd.s32 @!p1 $0xFFFFE000;
	s10 =	smov.u32 s16  }
.LBB1_1:
0x1e: {  	p1 =	sge.u32 s11, s5  }
0x1f: {  	s14 =	sand.u32 @!p1 $0x1FFFFFF, s9  }
0x20: {  	s15 =	smulhi.u32 @!p1 $0xAAAAAAB, s14;
	_ =	sdelay $0x1  }
0x21: {  	s15 =	smul.u32 @!p1 $0x18, s15  }
0x22: {  	s16 =	sxor.u32 @!p1 $0xFFFFFFFF, s11;
	s17 =	smul.u32 @!p1 $0x180, s10  }
0x23: {  	s31 =	sadd.s32 $0xFFFFFFFF, s11;
	s16 =	sshll.u32 @!p1 s16, $0xD;
	s14 =	ssub.s32 @!p1 s14, s15  }
0x24: {  	s15 =	sand.u32 @!p1 $0x2000, s16;
	s16 =	sadd.s32 @!p1 s6, s17;
	s14 =	sshll.u32 @!p1 s14, $0x4  }
0x25: {  	s17 =	simm.s32 @!p1 $0xC00;
	s14 =	sadd.s32 @!p1 s14, s16;
	s16 =	simm.s32 @!p1 $0x40  }
0x26: {  	[tilespmem:s15], [sflag:$0x1] =	stream.strided.gather @!p1 [hbm4b:s14+s16], $0x2000, s17, s16, $0x38;
	[tilespmem:$0x8080] =	vst v63  }
0x27: {  	p1 =	sge.u32 s31, s5  }
.Ltmp2:
0x28: {  	_ = 	snop;
	(pc) =	sbr.rel @p1 .LBB1_5-.Ltmp2, $1  }
0x29: {  	_ =	sdelay $0x3  }
0x2a: {  	s14 =	simm.s32 $0x1  }
0x2b: {  	_ =	swait.ge [sflag:s4], $0x2000;
	s14 =	simm.s32 @!p0 $0x0  }
0x2c: {  	[sflag:s4] =	ssyncset.done $0x0;
	s15 =	sshll.u32 s14, $0xD  }
0x2d: {  	[sflag:s4] =	ssyncadd.s32 $0xFFFFE000;
	s18 =	sor.u32 $0x20, s15  }
0x2e: {  	s14 =	smul.u32 $0x8100, s14;
	v3 =	vld [tilespmem:s18+$0x10]  }
0x2f: {  	s30 =	sand.u32 $0x1, s11;
	v2 =	vld [tilespmem:s18+$0xFFFFFFF0]  }
0x30: {  	s15 =	smul.u32 $0x8100, s30;
	s14 =	sshrl.u32 s14, $0x2;
	v0 =	vld [tilespmem:s18+$0x0]  }
0x31: {  	v1 =	vld [tilespmem:s18+$0xFFFFFFE0];
	s16 =	sor.u32 $0x4000, s14  }
0x32: {  	s31 =	sshrl.u32 s15, $0x2;
	s15 =	sadd.s32 $0x0, s16  }
0x33: {  	s17 =	simm.s32 $0x4;
	s18 =	sadd.s32 $0x40, s18;
	s14 =	sor.u32 $0x4000, s31;
	[tilespmem:s15+$0x1830 ss:$0x81] =	vst.msk $0xffff, v3  }
.LBB1_3:
0x34: {  	v3 =	vld [tilespmem:s18+$0x10];
	p1 =	sne.s32 s17, $0x1FC;
	[tilespmem:s15+$0x810 ss:$0x81] =	vst.msk $0xffff, v2;
	s19 =	smov.u32 s17;
	s17 =	sadd.s32 $0x4, s17  }
.Ltmp3:
0x35: {  	v2 =	vld [tilespmem:s18+$0xFFFFFFF0];
	[tilespmem:s15+$0x1020 ss:$0x81] =	vst.msk $0xffff, v0;
	(pc) =	sbr.rel @p1 .LBB1_3-.Ltmp3, $4  }
0x36: {  	v0 =	vld [tilespmem:s18+$0x0];
	[tilespmem:s15+$0x0 ss:$0x81] =	vst.msk $0xffff, v1  }
0x37: {  	s15 =	sshra.s32 s19, $0x2;
	v1 =	vld [tilespmem:s18+$0xFFFFFFE0]  }
0x38: {  	s15 =	sadd.s32 s15, s16  }
0x39: {  	s18 =	sadd.s32 $0x40, s18;
	[tilespmem:s15+$0x1830 ss:$0x81] =	vst.msk $0xffff, v3  }
.Ltmp4:
0x3a: {  	_ = 	snop;
	(pc) =	sbr.rel .LBB1_4-.Ltmp4, $1  }
0x3b: {  	_ =	sdelay $0x3  }
.LBB1_6:
0x3c: {  	_ =	sfence.sel $0x180000  }
0x3d: {  	s2 =	simm.s32 $0x1;
	[bflag:$0x0] =	sbarrier.arrive $0xFFFF  }
0x3e: {  	s31 =	simm.s32 $0x2;
	[sflag:s2] =	ssyncpa.u1 $0x1  }
0x3f: {  	[sflag:s31] =	ssyncpa.u1 $0x1  }
0x40: {  	p0 =	sne.s32 s0, $0x0;
	_ =	strace $0x9000004A  }
0x41: {  	s0 =	sadd.s32 @!p0 $0x100000, s1;
	[bflag:$0x2] =	sbarrier.arrive $0xFFFF  }
0x42: {  	[sflag:s0] =	ssyncadd.tile.s32 @!p0 $0x1;
	_ =	shalt  }
.Lfunc_end1:
_tile_overlayer_lowered:
.L_overlay_start_2:
0x43: {  	(tag) =	ssettag $0x2  }
0x44: {  	s0 =	rddreg [dreg:$0x0];
	s2 =	stileid.u32  }
0x45: {  	s1 =	rddreg [dreg:$0x1];
	p0 =	sne.s32 s2, $0x0  }
0x46: {  	s3 =	rddreg [dreg:$0x2];
	[bflag:$0x3] =	sbarrier.arrive $0xFFFF;
	s2 =	simm.s32 @!p0 $0x1C01  }
0x47: {  	[timem:s3], [sflag:s2] =	dma.local @!p0 [hbm:s0], s1  }
0x48: {  	s0 =	simm.s32 @!p0 $0x1  }
0x49: {  	_ =	swait.ge @!p0 [sflag:s0], s1  }
0x4a: {  	s1 =	ssub.s32 @!p0 $0x0, s1;
	[sflag:s0] =	ssyncset.done @!p0 $0x0  }
0x4b: {  	[sflag:s0] =	ssyncadd.s32 @!p0 s1  }
0x4c: {  	[bflag:$0x3] =	sbarrier.arrive $0xFFFF  }
0x4d: {  	_ =	shalt  }

</sc_bundles>
